<compile_context>
chip_gen: v7x
topology: tpu7x:2x2x1
jax: 0.10.2.dev20260603
libtpu: 0.0.44.dev20260713+nightly
codegen_flags: <defaults>
</compile_context>

<pallas_src>
import functools

import jax
import jax.numpy as jnp
from jax import lax
from jax.experimental import pallas as pl
from jax.experimental.pallas import tpu as pltpu
from jax.experimental.pallas import tpu_sc as plsc

B = 16384
D = 128
S = 10
E = 128
NC = 2
NS = 16
NW = NC * NS
NPW = B // NW
CHUNK = 32
NCHUNK = NPW // CHUNK
GROWS = CHUNK * S
GSPLIT = 64
NG = GROWS // GSPLIT

_mesh = plsc.VectorSubcoreMesh(
    core_axis_name="c", subcore_axis_name="s", num_cores=NC, num_subcores=NS
)


def _sc_body(nidx_hbm, nodes_hbm, table_hbm, self_out, nsum_out,
             nidx_v, sidx_v, nrows_v, srows_v, acc_v, gsem):
    wid = lax.axis_index("s") * NC + lax.axis_index("c")

    def chunk_body(k, carry):
        base = wid * NPW + k * CHUNK
        pltpu.sync_copy(nidx_hbm.at[pl.ds(base * S, GROWS)], nidx_v)
        pltpu.sync_copy(nodes_hbm.at[pl.ds(base, CHUNK)], sidx_v)
        copies = [
            pltpu.async_copy(
                table_hbm.at[nidx_v.at[pl.ds(g * GSPLIT, GSPLIT)]],
                nrows_v.at[pl.ds(g * GSPLIT, GSPLIT)],
                gsem,
            )
            for g in range(NG)
        ]
        copies.append(pltpu.async_copy(table_hbm.at[sidx_v], srows_v, gsem))
        for cp in copies:
            cp.wait()

        def node_body(i, c2):
            r0 = i * S
            for c in range(D // 16):
                cs = pl.ds(c * 16, 16)
                accv = nrows_v[r0, cs]
                for j in range(1, S):
                    accv = accv + nrows_v[r0 + j, cs]
                acc_v[i, cs] = accv
            return c2

        lax.fori_loop(0, CHUNK, node_body, 0)
        pltpu.sync_copy(acc_v, nsum_out.at[pl.ds(base, CHUNK)])
        pltpu.sync_copy(srows_v, self_out.at[pl.ds(base, CHUNK)])
        return carry

    lax.fori_loop(0, NCHUNK, chunk_body, 0)


_sc_gather = pl.kernel(
    _sc_body,
    out_type=[
        jax.ShapeDtypeStruct((B, D), jnp.float32),
        jax.ShapeDtypeStruct((B, D), jnp.float32),
    ],
    mesh=_mesh,
    scratch_types=[
        pltpu.VMEM((GROWS,), jnp.int32),
        pltpu.VMEM((CHUNK,), jnp.int32),
        pltpu.VMEM((GROWS, D), jnp.float32),
        pltpu.VMEM((CHUNK, D), jnp.float32),
        pltpu.VMEM((CHUNK, D), jnp.float32),
        pltpu.SemaphoreType.DMA,
    ],
)

BT = 2048


def _tc_body(ws_ref, wn_ref, s_ref, n_ref, o_ref):
    dn = (((1,), (1,)), ((), ()))
    a = lax.dot_general(ws_ref[...], s_ref[...], dn,
                        preferred_element_type=jnp.float32)
    b = lax.dot_general(wn_ref[...], n_ref[...], dn,
                        preferred_element_type=jnp.float32)
    o_ref[...] = jnp.maximum(a + 0.1 * b, 0.0)


def _tc_call(ws, wn, self_f, nsum):
    return pl.pallas_call(
        _tc_body,
        grid=(B // BT,),
        in_specs=[
            pl.BlockSpec((E, D), lambda j: (0, 0)),
            pl.BlockSpec((E, D), lambda j: (0, 0)),
            pl.BlockSpec((BT, D), lambda j: (j, 0)),
            pl.BlockSpec((BT, D), lambda j: (j, 0)),
        ],
        out_specs=pl.BlockSpec((E, BT), lambda j: (0, j)),
        out_shape=jax.ShapeDtypeStruct((E, B), jnp.float32),
    )(ws, wn, self_f, nsum)


@jax.jit
def kernel(nodes, neigh_idx, feat_table, weight):
    nidx_flat = neigh_idx.reshape(-1).astype(jnp.int32)
    nodes32 = nodes.astype(jnp.int32)
    self_f, nsum = _sc_gather(nidx_flat, nodes32, feat_table)
    ws = weight[:, :D]
    wn = weight[:, D:]
    return _tc_call(ws, wn, self_f, nsum)

# --- scband reference (transcript-rebuilt; emitter-appended) ---
"""Pipeline reference for scband-encoder-2637109920244 (READ-ONLY COPY).

The authoritative reference and input builder live on the scoring server;
editing this copy changes nothing except your own understanding.
"""

import jax, jax.numpy as jnp
import numpy as np

N_NODES = 100000
D_FEAT = 128
EMBED_DIM = 128
BATCH = 16384
NUM_SAMPLE = 10


def setup_inputs(seed: int = 0) -> dict:
    key = jax.random.key(seed)
    k1, k2, k3, k4 = jax.random.split(key, 4)
    nodes = jax.random.randint(k1, (BATCH,), 0, N_NODES, dtype=jnp.int64) if jax.config.jax_enable_x64 else jax.random.randint(k1, (BATCH,), 0, N_NODES, dtype=jnp.int32)
    neigh_idx = jax.random.randint(k2, (BATCH, NUM_SAMPLE), 0, N_NODES, dtype=nodes.dtype)
    feat_table = jax.random.normal(k3, (N_NODES, D_FEAT), dtype=jnp.float32) * 0.1
    # xavier_uniform for weight [embed_dim, 2*feat_dim] (gcn=False -> concat self + neigh)
    fan_in = 2 * D_FEAT
    fan_out = EMBED_DIM
    limit = float(np.sqrt(6.0 / (fan_in + fan_out)))
    weight = jax.random.uniform(k4, (EMBED_DIM, 2 * D_FEAT), minval=-limit, maxval=limit, dtype=jnp.float32)
    return {"nodes": nodes, "neigh_idx": neigh_idx, "feat_table": feat_table, "weight": weight}


def reference(nodes, neigh_idx, feat_table, weight):
    # MeanAggregator over sampled neighbors: gather neighbor features and average
    neigh_feats = jnp.take(feat_table, neigh_idx, axis=0).mean(axis=1)  # [B, d_feat]
    # self features (gcn=False branch)
    self_feats = jnp.take(feat_table, nodes, axis=0)  # [B, d_feat]
    combined = jnp.concatenate([self_feats, neigh_feats], axis=1)  # [B, 2*d_feat]
    # combined = relu(W @ combined.T) -> [embed_dim, B]
    out = jax.nn.relu(weight @ combined.T)
    return out

if __name__ == "__main__":
    import jax
    _d = setup_inputs()
    print(jax.jit(kernel)(*tuple(_d.values())))

</pallas_src>

<mosaic_0001>
#map = affine_map<(d0, d1) -> (0)>
#map1 = affine_map<(d0, d1) -> (0, 0)>
module attributes {stable_mosaic.version = 14 : i64} {
  func.func @_sc_body(%arg0: i32, %arg1: i32, %arg2: memref<163840xi32, #tpu.memory_space<hbm>>, %arg3: memref<16384xi32, #tpu.memory_space<hbm>>, %arg4: memref<100000x128xf32, #tpu.memory_space<hbm>>, %arg5: memref<16384x128xf32, #tpu.memory_space<hbm>>, %arg6: memref<16384x128xf32, #tpu.memory_space<hbm>>, %arg7: memref<320xi32, #tpu.memory_space<vmem>>, %arg8: memref<32xi32, #tpu.memory_space<vmem>>, %arg9: memref<320x128xf32, #tpu.memory_space<vmem>>, %arg10: memref<32x128xf32, #tpu.memory_space<vmem>>, %arg11: memref<32x128xf32, #tpu.memory_space<vmem>>, %arg12: memref<!tpu.dma_semaphore, #tpu.memory_space<semaphore_mem>>) attributes {dimension_semantics = [#tpu.dimension_semantics<core_parallel>, #tpu.dimension_semantics<subcore_parallel>], iteration_bounds = array<i64: 2, 16>, scalar_prefetch = 0 : i64, scratch_operands = 6 : i64, tpu.core_type = #tpu.core_type<sc_vector_subcore>, window_params = [{transform_indices = #map}, {transform_indices = #map}, {transform_indices = #map1}, {transform_indices = #map1}, {transform_indices = #map1}]} {
    %mul3A = arith.constant 2 : i32
    %mul3A_0 = arith.muli %arg1, %mul3A : i32
    %add3A = arith.addi %mul3A_0, %arg0 : i32
    %scan3A = arith.constant 0 : i32
    %scan3A_1 = arith.constant 0 : i32
    %scan3A_2 = arith.constant 16 : i32
    %scan3A_3 = arith.addi %scan3A_1, %scan3A_2 : i32
    %scan3A_4 = arith.constant 1 : i32
    scf.for %scan3A_6 = %scan3A_1 to %scan3A_3 step %scan3A_4  : i32 {
      %mul3A_7 = arith.constant 512 : i32
      %mul3A_8 = arith.muli %add3A, %mul3A_7 : i32
      %mul3A_9 = arith.constant 32 : i32
      %mul3A_10 = arith.muli %scan3A_6, %mul3A_9 : i32
      %add3A_11 = arith.addi %mul3A_8, %mul3A_10 : i32
      %mul3A_12 = arith.constant 10 : i32
      %mul3A_13 = arith.muli %add3A_11, %mul3A_12 : i32
      "tpu.region"() ({
        %run_scoped3A = tpu.sem_alloc : memref<!tpu.dma_semaphore, #tpu.memory_space<semaphore_mem>>
        %dma_start3A_104 = tpu.memref_slice %arg2[%mul3A_13] : memref<163840xi32, #tpu.memory_space<hbm>> -> memref<320xi32, #tpu.memory_space<hbm>>
        %dma_start3A_105 = tpu.memref_slice %arg2[%mul3A_13] : memref<163840xi32, #tpu.memory_space<hbm>> -> memref<320xi32, #tpu.memory_space<hbm>>
        tpu.enqueue_dma source(%dma_start3A_105 : memref<320xi32, #tpu.memory_space<hbm>>) target(%arg7 : memref<320xi32, #tpu.memory_space<vmem>>) target_semaphore(%run_scoped3A : memref<!tpu.dma_semaphore, #tpu.memory_space<semaphore_mem>>)
        %dma_wait3A_106 = tpu.memref_slice %arg2[%mul3A_13] : memref<163840xi32, #tpu.memory_space<hbm>> -> memref<320xi32, #tpu.memory_space<hbm>>
        %dma_wait3A_107 = tpu.memref_slice %arg2[%mul3A_13] : memref<163840xi32, #tpu.memory_space<hbm>> -> memref<320xi32, #tpu.memory_space<hbm>>
        tpu.wait_dma2 semaphore(%run_scoped3A : memref<!tpu.dma_semaphore, #tpu.memory_space<semaphore_mem>>) src(%dma_wait3A_107 : memref<320xi32, #tpu.memory_space<hbm>>) dst(%arg7 : memref<320xi32, #tpu.memory_space<vmem>>)
        tpu.yield
      }) : () -> ()
      "tpu.region"() ({
        %run_scoped3A = tpu.sem_alloc : memref<!tpu.dma_semaphore, #tpu.memory_space<semaphore_mem>>
        %dma_start3A_104 = tpu.memref_slice %arg3[%add3A_11] : memref<16384xi32, #tpu.memory_space<hbm>> -> memref<32xi32, #tpu.memory_space<hbm>>
        %dma_start3A_105 = tpu.memref_slice %arg3[%add3A_11] : memref<16384xi32, #tpu.memory_space<hbm>> -> memref<32xi32, #tpu.memory_space<hbm>>
        tpu.enqueue_dma source(%dma_start3A_105 : memref<32xi32, #tpu.memory_space<hbm>>) target(%arg8 : memref<32xi32, #tpu.memory_space<vmem>>) target_semaphore(%run_scoped3A : memref<!tpu.dma_semaphore, #tpu.memory_space<semaphore_mem>>)
        %dma_wait3A_106 = tpu.memref_slice %arg3[%add3A_11] : memref<16384xi32, #tpu.memory_space<hbm>> -> memref<32xi32, #tpu.memory_space<hbm>>
        %dma_wait3A_107 = tpu.memref_slice %arg3[%add3A_11] : memref<16384xi32, #tpu.memory_space<hbm>> -> memref<32xi32, #tpu.memory_space<hbm>>
        tpu.wait_dma2 semaphore(%run_scoped3A : memref<!tpu.dma_semaphore, #tpu.memory_space<semaphore_mem>>) src(%dma_wait3A_107 : memref<32xi32, #tpu.memory_space<hbm>>) dst(%arg8 : memref<32xi32, #tpu.memory_space<vmem>>)
        tpu.yield
      }) : () -> ()
      %dma_start3A = arith.constant 0 : i32
      %dma_start3A_14 = arith.constant 0 : i32
      %dma_start3A_15 = tpu.memref_slice %arg9[%dma_start3A, %dma_start3A_14] : memref<320x128xf32, #tpu.memory_space<vmem>> -> memref<64x128xf32, #tpu.memory_space<vmem>>
      %dma_start3A_16 = arith.constant 0 : i32
      %dma_start3A_17 = tpu.memref_slice %arg7[%dma_start3A_16] : memref<320xi32, #tpu.memory_space<vmem>> -> memref<64xi32, #tpu.memory_space<vmem>>
      %dma_start3A_18 = arith.constant 0 : i32
      %dma_start3A_19 = arith.constant 0 : i32
      %dma_start3A_20 = tpu.memref_slice %arg4[%dma_start3A_18, %dma_start3A_19] : memref<100000x128xf32, #tpu.memory_space<hbm>> -> memref<100000x128xf32, #tpu.memory_space<hbm>>
      tpu.enqueue_indirect_dma source(%dma_start3A_20 : memref<100000x128xf32, #tpu.memory_space<hbm>>) target(%dma_start3A_15 : memref<64x128xf32, #tpu.memory_space<vmem>>) offsets(%dma_start3A_17 : memref<64xi32, #tpu.memory_space<vmem>>) semaphore(%arg12 : memref<!tpu.dma_semaphore, #tpu.memory_space<semaphore_mem>>)
      %dma_start3A_21 = arith.constant 64 : i32
      %dma_start3A_22 = arith.constant 0 : i32
      %dma_start3A_23 = tpu.memref_slice %arg9[%dma_start3A_21, %dma_start3A_22] : memref<320x128xf32, #tpu.memory_space<vmem>> -> memref<64x128xf32, #tpu.memory_space<vmem>>
      %dma_start3A_24 = arith.constant 64 : i32
      %dma_start3A_25 = tpu.memref_slice %arg7[%dma_start3A_24] : memref<320xi32, #tpu.memory_space<vmem>> -> memref<64xi32, #tpu.memory_space<vmem>>
      %dma_start3A_26 = arith.constant 0 : i32
      %dma_start3A_27 = arith.constant 0 : i32
      %dma_start3A_28 = tpu.memref_slice %arg4[%dma_start3A_26, %dma_start3A_27] : memref<100000x128xf32, #tpu.memory_space<hbm>> -> memref<100000x128xf32, #tpu.memory_space<hbm>>
      tpu.enqueue_indirect_dma source(%dma_start3A_28 : memref<100000x128xf32, #tpu.memory_space<hbm>>) target(%dma_start3A_23 : memref<64x128xf32, #tpu.memory_space<vmem>>) offsets(%dma_start3A_25 : memref<64xi32, #tpu.memory_space<vmem>>) semaphore(%arg12 : memref<!tpu.dma_semaphore, #tpu.memory_space<semaphore_mem>>)
      %dma_start3A_29 = arith.constant 128 : i32
      %dma_start3A_30 = arith.constant 0 : i32
      %dma_start3A_31 = tpu.memref_slice %arg9[%dma_start3A_29, %dma_start3A_30] : memref<320x128xf32, #tpu.memory_space<vmem>> -> memref<64x128xf32, #tpu.memory_space<vmem>>
      %dma_start3A_32 = arith.constant 128 : i32
      %dma_start3A_33 = tpu.memref_slice %arg7[%dma_start3A_32] : memref<320xi32, #tpu.memory_space<vmem>> -> memref<64xi32, #tpu.memory_space<vmem>>
      %dma_start3A_34 = arith.constant 0 : i32
      %dma_start3A_35 = arith.constant 0 : i32
      %dma_start3A_36 = tpu.memref_slice %arg4[%dma_start3A_34, %dma_start3A_35] : memref<100000x128xf32, #tpu.memory_space<hbm>> -> memref<100000x128xf32, #tpu.memory_space<hbm>>
      tpu.enqueue_indirect_dma source(%dma_start3A_36 : memref<100000x128xf32, #tpu.memory_space<hbm>>) target(%dma_start3A_31 : memref<64x128xf32, #tpu.memory_space<vmem>>) offsets(%dma_start3A_33 : memref<64xi32, #tpu.memory_space<vmem>>) semaphore(%arg12 : memref<!tpu.dma_semaphore, #tpu.memory_space<semaphore_mem>>)
      %dma_start3A_37 = arith.constant 192 : i32
      %dma_start3A_38 = arith.constant 0 : i32
      %dma_start3A_39 = tpu.memref_slice %arg9[%dma_start3A_37, %dma_start3A_38] : memref<320x128xf32, #tpu.memory_space<vmem>> -> memref<64x128xf32, #tpu.memory_space<vmem>>
      %dma_start3A_40 = arith.constant 192 : i32
      %dma_start3A_41 = tpu.memref_slice %arg7[%dma_start3A_40] : memref<320xi32, #tpu.memory_space<vmem>> -> memref<64xi32, #tpu.memory_space<vmem>>
      %dma_start3A_42 = arith.constant 0 : i32
      %dma_start3A_43 = arith.constant 0 : i32
      %dma_start3A_44 = tpu.memref_slice %arg4[%dma_start3A_42, %dma_start3A_43] : memref<100000x128xf32, #tpu.memory_space<hbm>> -> memref<100000x128xf32, #tpu.memory_space<hbm>>
      tpu.enqueue_indirect_dma source(%dma_start3A_44 : memref<100000x128xf32, #tpu.memory_space<hbm>>) target(%dma_start3A_39 : memref<64x128xf32, #tpu.memory_space<vmem>>) offsets(%dma_start3A_41 : memref<64xi32, #tpu.memory_space<vmem>>) semaphore(%arg12 : memref<!tpu.dma_semaphore, #tpu.memory_space<semaphore_mem>>)
      %dma_start3A_45 = arith.constant 256 : i32
      %dma_start3A_46 = arith.constant 0 : i32
      %dma_start3A_47 = tpu.memref_slice %arg9[%dma_start3A_45, %dma_start3A_46] : memref<320x128xf32, #tpu.memory_space<vmem>> -> memref<64x128xf32, #tpu.memory_space<vmem>>
      %dma_start3A_48 = arith.constant 256 : i32
      %dma_start3A_49 = tpu.memref_slice %arg7[%dma_start3A_48] : memref<320xi32, #tpu.memory_space<vmem>> -> memref<64xi32, #tpu.memory_space<vmem>>
      %dma_start3A_50 = arith.constant 0 : i32
      %dma_start3A_51 = arith.constant 0 : i32
      %dma_start3A_52 = tpu.memref_slice %arg4[%dma_start3A_50, %dma_start3A_51] : memref<100000x128xf32, #tpu.memory_space<hbm>> -> memref<100000x128xf32, #tpu.memory_space<hbm>>
      tpu.enqueue_indirect_dma source(%dma_start3A_52 : memref<100000x128xf32, #tpu.memory_space<hbm>>) target(%dma_start3A_47 : memref<64x128xf32, #tpu.memory_space<vmem>>) offsets(%dma_start3A_49 : memref<64xi32, #tpu.memory_space<vmem>>) semaphore(%arg12 : memref<!tpu.dma_semaphore, #tpu.memory_space<semaphore_mem>>)
      %dma_start3A_53 = arith.constant 0 : i32
      %dma_start3A_54 = arith.constant 0 : i32
      %dma_start3A_55 = tpu.memref_slice %arg4[%dma_start3A_53, %dma_start3A_54] : memref<100000x128xf32, #tpu.memory_space<hbm>> -> memref<100000x128xf32, #tpu.memory_space<hbm>>
      tpu.enqueue_indirect_dma source(%dma_start3A_55 : memref<100000x128xf32, #tpu.memory_space<hbm>>) target(%arg10 : memref<32x128xf32, #tpu.memory_space<vmem>>) offsets(%arg8 : memref<32xi32, #tpu.memory_space<vmem>>) semaphore(%arg12 : memref<!tpu.dma_semaphore, #tpu.memory_space<semaphore_mem>>)
      %dma_wait3A = arith.constant 0 : i32
      %dma_wait3A_56 = arith.constant 0 : i32
      %dma_wait3A_57 = tpu.memref_slice %arg9[%dma_wait3A, %dma_wait3A_56] : memref<320x128xf32, #tpu.memory_space<vmem>> -> memref<64x128xf32, #tpu.memory_space<vmem>>
      %dma_wait3A_58 = arith.constant 0 : i32
      %dma_wait3A_59 = tpu.memref_slice %arg7[%dma_wait3A_58] : memref<320xi32, #tpu.memory_space<vmem>> -> memref<64xi32, #tpu.memory_space<vmem>>
      %dma_wait3A_60 = arith.constant 0 : i32
      %dma_wait3A_61 = arith.constant 0 : i32
      %dma_wait3A_62 = tpu.memref_slice %arg4[%dma_wait3A_60, %dma_wait3A_61] : memref<100000x128xf32, #tpu.memory_space<hbm>> -> memref<100000x128xf32, #tpu.memory_space<hbm>>
      tpu.wait_indirect_dma semaphore(%arg12 : memref<!tpu.dma_semaphore, #tpu.memory_space<semaphore_mem>>) src(%dma_wait3A_62 : memref<100000x128xf32, #tpu.memory_space<hbm>>) dst(%dma_wait3A_57 : memref<64x128xf32, #tpu.memory_space<vmem>>)
      %dma_wait3A_63 = arith.constant 64 : i32
      %dma_wait3A_64 = arith.constant 0 : i32
      %dma_wait3A_65 = tpu.memref_slice %arg9[%dma_wait3A_63, %dma_wait3A_64] : memref<320x128xf32, #tpu.memory_space<vmem>> -> memref<64x128xf32, #tpu.memory_space<vmem>>
      %dma_wait3A_66 = arith.constant 64 : i32
      %dma_wait3A_67 = tpu.memref_slice %arg7[%dma_wait3A_66] : memref<320xi32, #tpu.memory_space<vmem>> -> memref<64xi32, #tpu.memory_space<vmem>>
      %dma_wait3A_68 = arith.constant 0 : i32
      %dma_wait3A_69 = arith.constant 0 : i32
      %dma_wait3A_70 = tpu.memref_slice %arg4[%dma_wait3A_68, %dma_wait3A_69] : memref<100000x128xf32, #tpu.memory_space<hbm>> -> memref<100000x128xf32, #tpu.memory_space<hbm>>
      tpu.wait_indirect_dma semaphore(%arg12 : memref<!tpu.dma_semaphore, #tpu.memory_space<semaphore_mem>>) src(%dma_wait3A_70 : memref<100000x128xf32, #tpu.memory_space<hbm>>) dst(%dma_wait3A_65 : memref<64x128xf32, #tpu.memory_space<vmem>>)
      %dma_wait3A_71 = arith.constant 128 : i32
      %dma_wait3A_72 = arith.constant 0 : i32
      %dma_wait3A_73 = tpu.memref_slice %arg9[%dma_wait3A_71, %dma_wait3A_72] : memref<320x128xf32, #tpu.memory_space<vmem>> -> memref<64x128xf32, #tpu.memory_space<vmem>>
      %dma_wait3A_74 = arith.constant 128 : i32
      %dma_wait3A_75 = tpu.memref_slice %arg7[%dma_wait3A_74] : memref<320xi32, #tpu.memory_space<vmem>> -> memref<64xi32, #tpu.memory_space<vmem>>
      %dma_wait3A_76 = arith.constant 0 : i32
      %dma_wait3A_77 = arith.constant 0 : i32
      %dma_wait3A_78 = tpu.memref_slice %arg4[%dma_wait3A_76, %dma_wait3A_77] : memref<100000x128xf32, #tpu.memory_space<hbm>> -> memref<100000x128xf32, #tpu.memory_space<hbm>>
      tpu.wait_indirect_dma semaphore(%arg12 : memref<!tpu.dma_semaphore, #tpu.memory_space<semaphore_mem>>) src(%dma_wait3A_78 : memref<100000x128xf32, #tpu.memory_space<hbm>>) dst(%dma_wait3A_73 : memref<64x128xf32, #tpu.memory_space<vmem>>)
      %dma_wait3A_79 = arith.constant 192 : i32
      %dma_wait3A_80 = arith.constant 0 : i32
      %dma_wait3A_81 = tpu.memref_slice %arg9[%dma_wait3A_79, %dma_wait3A_80] : memref<320x128xf32, #tpu.memory_space<vmem>> -> memref<64x128xf32, #tpu.memory_space<vmem>>
      %dma_wait3A_82 = arith.constant 192 : i32
      %dma_wait3A_83 = tpu.memref_slice %arg7[%dma_wait3A_82] : memref<320xi32, #tpu.memory_space<vmem>> -> memref<64xi32, #tpu.memory_space<vmem>>
      %dma_wait3A_84 = arith.constant 0 : i32
      %dma_wait3A_85 = arith.constant 0 : i32
      %dma_wait3A_86 = tpu.memref_slice %arg4[%dma_wait3A_84, %dma_wait3A_85] : memref<100000x128xf32, #tpu.memory_space<hbm>> -> memref<100000x128xf32, #tpu.memory_space<hbm>>
      tpu.wait_indirect_dma semaphore(%arg12 : memref<!tpu.dma_semaphore, #tpu.memory_space<semaphore_mem>>) src(%dma_wait3A_86 : memref<100000x128xf32, #tpu.memory_space<hbm>>) dst(%dma_wait3A_81 : memref<64x128xf32, #tpu.memory_space<vmem>>)
      %dma_wait3A_87 = arith.constant 256 : i32
      %dma_wait3A_88 = arith.constant 0 : i32
      %dma_wait3A_89 = tpu.memref_slice %arg9[%dma_wait3A_87, %dma_wait3A_88] : memref<320x128xf32, #tpu.memory_space<vmem>> -> memref<64x128xf32, #tpu.memory_space<vmem>>
      %dma_wait3A_90 = arith.constant 256 : i32
      %dma_wait3A_91 = tpu.memref_slice %arg7[%dma_wait3A_90] : memref<320xi32, #tpu.memory_space<vmem>> -> memref<64xi32, #tpu.memory_space<vmem>>
      %dma_wait3A_92 = arith.constant 0 : i32
      %dma_wait3A_93 = arith.constant 0 : i32
      %dma_wait3A_94 = tpu.memref_slice %arg4[%dma_wait3A_92, %dma_wait3A_93] : memref<100000x128xf32, #tpu.memory_space<hbm>> -> memref<100000x128xf32, #tpu.memory_space<hbm>>
      tpu.wait_indirect_dma semaphore(%arg12 : memref<!tpu.dma_semaphore, #tpu.memory_space<semaphore_mem>>) src(%dma_wait3A_94 : memref<100000x128xf32, #tpu.memory_space<hbm>>) dst(%dma_wait3A_89 : memref<64x128xf32, #tpu.memory_space<vmem>>)
      %dma_wait3A_95 = arith.constant 0 : i32
      %dma_wait3A_96 = arith.constant 0 : i32
      %dma_wait3A_97 = tpu.memref_slice %arg4[%dma_wait3A_95, %dma_wait3A_96] : memref<100000x128xf32, #tpu.memory_space<hbm>> -> memref<100000x128xf32, #tpu.memory_space<hbm>>
      tpu.wait_indirect_dma semaphore(%arg12 : memref<!tpu.dma_semaphore, #tpu.memory_space<semaphore_mem>>) src(%dma_wait3A_97 : memref<100000x128xf32, #tpu.memory_space<hbm>>) dst(%arg10 : memref<32x128xf32, #tpu.memory_space<vmem>>)
      %scan3A_98 = arith.constant 0 : i32
      %scan3A_99 = arith.constant 0 : i32
      %scan3A_100 = arith.constant 32 : i32
      %scan3A_101 = arith.addi %scan3A_99, %scan3A_100 : i32
      %scan3A_102 = arith.constant 1 : i32
      scf.for %scan3A_104 = %scan3A_99 to %scan3A_101 step %scan3A_102  : i32 {
        %mul3A_105 = arith.constant 10 : i32
        %mul3A_106 = arith.muli %scan3A_104, %mul3A_105 : i32
        %get3A = arith.index_cast %mul3A_106 : i32 to index
        %get3A_107 = arith.constant 0 : index
        %get3A_108 = tpu.vector_load %arg9[%get3A, %get3A_107] {strides = array<i32>} : memref<320x128xf32, #tpu.memory_space<vmem>>, vector<1x16xf32>,
        %get3A_109 = vector.shape_cast %get3A_108 : vector<1x16xf32> to vector<16xf32>
        %add3A_110 = arith.constant 1 : i32
        %add3A_111 = arith.addi %mul3A_106, %add3A_110 : i32
        %get3A_112 = arith.index_cast %add3A_111 : i32 to index
        %get3A_113 = arith.constant 0 : index
        %get3A_114 = tpu.vector_load %arg9[%get3A_112, %get3A_113] {strides = array<i32>} : memref<320x128xf32, #tpu.memory_space<vmem>>, vector<1x16xf32>,
        %get3A_115 = vector.shape_cast %get3A_114 : vector<1x16xf32> to vector<16xf32>
        %add3A_116 = arith.addf %get3A_109, %get3A_115 : vector<16xf32>
        %add3A_117 = arith.constant 2 : i32
        %add3A_118 = arith.addi %mul3A_106, %add3A_117 : i32
        %get3A_119 = arith.index_cast %add3A_118 : i32 to index
        %get3A_120 = arith.constant 0 : index
        %get3A_121 = tpu.vector_load %arg9[%get3A_119, %get3A_120] {strides = array<i32>} : memref<320x128xf32, #tpu.memory_space<vmem>>, vector<1x16xf32>,
        %get3A_122 = vector.shape_cast %get3A_121 : vector<1x16xf32> to vector<16xf32>
        %add3A_123 = arith.addf %add3A_116, %get3A_122 : vector<16xf32>
        %add3A_124 = arith.constant 3 : i32
        %add3A_125 = arith.addi %mul3A_106, %add3A_124 : i32
        %get3A_126 = arith.index_cast %add3A_125 : i32 to index
        %get3A_127 = arith.constant 0 : index
        %get3A_128 = tpu.vector_load %arg9[%get3A_126, %get3A_127] {strides = array<i32>} : memref<320x128xf32, #tpu.memory_space<vmem>>, vector<1x16xf32>,
        %get3A_129 = vector.shape_cast %get3A_128 : vector<1x16xf32> to vector<16xf32>
        %add3A_130 = arith.addf %add3A_123, %get3A_129 : vector<16xf32>
        %add3A_131 = arith.constant 4 : i32
        %add3A_132 = arith.addi %mul3A_106, %add3A_131 : i32
        %get3A_133 = arith.index_cast %add3A_132 : i32 to index
        %get3A_134 = arith.constant 0 : index
        %get3A_135 = tpu.vector_load %arg9[%get3A_133, %get3A_134] {strides = array<i32>} : memref<320x128xf32, #tpu.memory_space<vmem>>, vector<1x16xf32>,
        %get3A_136 = vector.shape_cast %get3A_135 : vector<1x16xf32> to vector<16xf32>
        %add3A_137 = arith.addf %add3A_130, %get3A_136 : vector<16xf32>
        %add3A_138 = arith.constant 5 : i32
        %add3A_139 = arith.addi %mul3A_106, %add3A_138 : i32
        %get3A_140 = arith.index_cast %add3A_139 : i32 to index
        %get3A_141 = arith.constant 0 : index
        %get3A_142 = tpu.vector_load %arg9[%get3A_140, %get3A_141] {strides = array<i32>} : memref<320x128xf32, #tpu.memory_space<vmem>>, vector<1x16xf32>,
        %get3A_143 = vector.shape_cast %get3A_142 : vector<1x16xf32> to vector<16xf32>
        %add3A_144 = arith.addf %add3A_137, %get3A_143 : vector<16xf32>
        %add3A_145 = arith.constant 6 : i32
        %add3A_146 = arith.addi %mul3A_106, %add3A_145 : i32
        %get3A_147 = arith.index_cast %add3A_146 : i32 to index
        %get3A_148 = arith.constant 0 : index
        %get3A_149 = tpu.vector_load %arg9[%get3A_147, %get3A_148] {strides = array<i32>} : memref<320x128xf32, #tpu.memory_space<vmem>>, vector<1x16xf32>,
        %get3A_150 = vector.shape_cast %get3A_149 : vector<1x16xf32> to vector<16xf32>
        %add3A_151 = arith.addf %add3A_144, %get3A_150 : vector<16xf32>
        %add3A_152 = arith.constant 7 : i32
        %add3A_153 = arith.addi %mul3A_106, %add3A_152 : i32
        %get3A_154 = arith.index_cast %add3A_153 : i32 to index
        %get3A_155 = arith.constant 0 : index
        %get3A_156 = tpu.vector_load %arg9[%get3A_154, %get3A_155] {strides = array<i32>} : memref<320x128xf32, #tpu.memory_space<vmem>>, vector<1x16xf32>,
        %get3A_157 = vector.shape_cast %get3A_156 : vector<1x16xf32> to vector<16xf32>
        %add3A_158 = arith.addf %add3A_151, %get3A_157 : vector<16xf32>
        %add3A_159 = arith.constant 8 : i32
        %add3A_160 = arith.addi %mul3A_106, %add3A_159 : i32
        %get3A_161 = arith.index_cast %add3A_160 : i32 to index
        %get3A_162 = arith.constant 0 : index
        %get3A_163 = tpu.vector_load %arg9[%get3A_161, %get3A_162] {strides = array<i32>} : memref<320x128xf32, #tpu.memory_space<vmem>>, vector<1x16xf32>,
        %get3A_164 = vector.shape_cast %get3A_163 : vector<1x16xf32> to vector<16xf32>
        %add3A_165 = arith.addf %add3A_158, %get3A_164 : vector<16xf32>
        %add3A_166 = arith.constant 9 : i32
        %add3A_167 = arith.addi %mul3A_106, %add3A_166 : i32
        %get3A_168 = arith.index_cast %add3A_167 : i32 to index
        %get3A_169 = arith.constant 0 : index
        %get3A_170 = tpu.vector_load %arg9[%get3A_168, %get3A_169] {strides = array<i32>} : memref<320x128xf32, #tpu.memory_space<vmem>>, vector<1x16xf32>,
        %get3A_171 = vector.shape_cast %get3A_170 : vector<1x16xf32> to vector<16xf32>
        %add3A_172 = arith.addf %add3A_165, %get3A_171 : vector<16xf32>
        %swap3A = arith.index_cast %scan3A_104 : i32 to index
        %swap3A_173 = arith.constant 0 : index
        %swap3A_174 = tpu.vector_load %arg11[%swap3A, %swap3A_173] {strides = array<i32>} : memref<32x128xf32, #tpu.memory_space<vmem>>, vector<1x16xf32>,
        %swap3A_175 = vector.shape_cast %swap3A_174 : vector<1x16xf32> to vector<16xf32>
        %swap3A_176 = vector.shape_cast %add3A_172 : vector<16xf32> to vector<1x16xf32>
        tpu.vector_store %arg11[%swap3A, %swap3A_173], %swap3A_176 {strides = array<i32>} : memref<32x128xf32, #tpu.memory_space<vmem>>, vector<1x16xf32>,
        %get3A_177 = arith.index_cast %mul3A_106 : i32 to index
        %get3A_178 = arith.constant 16 : index
        %get3A_179 = tpu.vector_load %arg9[%get3A_177, %get3A_178] {strides = array<i32>} : memref<320x128xf32, #tpu.memory_space<vmem>>, vector<1x16xf32>,
        %get3A_180 = vector.shape_cast %get3A_179 : vector<1x16xf32> to vector<16xf32>
        %add3A_181 = arith.constant 1 : i32
        %add3A_182 = arith.addi %mul3A_106, %add3A_181 : i32
        %get3A_183 = arith.index_cast %add3A_182 : i32 to index
        %get3A_184 = arith.constant 16 : index
        %get3A_185 = tpu.vector_load %arg9[%get3A_183, %get3A_184] {strides = array<i32>} : memref<320x128xf32, #tpu.memory_space<vmem>>, vector<1x16xf32>,
        %get3A_186 = vector.shape_cast %get3A_185 : vector<1x16xf32> to vector<16xf32>
        %add3A_187 = arith.addf %get3A_180, %get3A_186 : vector<16xf32>
        %add3A_188 = arith.constant 2 : i32
        %add3A_189 = arith.addi %mul3A_106, %add3A_188 : i32
        %get3A_190 = arith.index_cast %add3A_189 : i32 to index
        %get3A_191 = arith.constant 16 : index
        %get3A_192 = tpu.vector_load %arg9[%get3A_190, %get3A_191] {strides = array<i32>} : memref<320x128xf32, #tpu.memory_space<vmem>>, vector<1x16xf32>,
        %get3A_193 = vector.shape_cast %get3A_192 : vector<1x16xf32> to vector<16xf32>
        %add3A_194 = arith.addf %add3A_187, %get3A_193 : vector<16xf32>
        %add3A_195 = arith.constant 3 : i32
        %add3A_196 = arith.addi %mul3A_106, %add3A_195 : i32
        %get3A_197 = arith.index_cast %add3A_196 : i32 to index
        %get3A_198 = arith.constant 16 : index
        %get3A_199 = tpu.vector_load %arg9[%get3A_197, %get3A_198] {strides = array<i32>} : memref<320x128xf32, #tpu.memory_space<vmem>>, vector<1x16xf32>,
        %get3A_200 = vector.shape_cast %get3A_199 : vector<1x16xf32> to vector<16xf32>
        %add3A_201 = arith.addf %add3A_194, %get3A_200 : vector<16xf32>
        %add3A_202 = arith.constant 4 : i32
        %add3A_203 = arith.addi %mul3A_106, %add3A_202 : i32
        %get3A_204 = arith.index_cast %add3A_203 : i32 to index
        %get3A_205 = arith.constant 16 : index
        %get3A_206 = tpu.vector_load %arg9[%get3A_204, %get3A_205] {strides = array<i32>} : memref<320x128xf32, #tpu.memory_space<vmem>>, vector<1x16xf32>,
        %get3A_207 = vector.shape_cast %get3A_206 : vector<1x16xf32> to vector<16xf32>
        %add3A_208 = arith.addf %add3A_201, %get3A_207 : vector<16xf32>
        %add3A_209 = arith.constant 5 : i32
        %add3A_210 = arith.addi %mul3A_106, %add3A_209 : i32
        %get3A_211 = arith.index_cast %add3A_210 : i32 to index
        %get3A_212 = arith.constant 16 : index
        %get3A_213 = tpu.vector_load %arg9[%get3A_211, %get3A_212] {strides = array<i32>} : memref<320x128xf32, #tpu.memory_space<vmem>>, vector<1x16xf32>,
        %get3A_214 = vector.shape_cast %get3A_213 : vector<1x16xf32> to vector<16xf32>
        %add3A_215 = arith.addf %add3A_208, %get3A_214 : vector<16xf32>
        %add3A_216 = arith.constant 6 : i32
        %add3A_217 = arith.addi %mul3A_106, %add3A_216 : i32
        %get3A_218 = arith.index_cast %add3A_217 : i32 to index
        %get3A_219 = arith.constant 16 : index
        %get3A_220 = tpu.vector_load %arg9[%get3A_218, %get3A_219] {strides = array<i32>} : memref<320x128xf32, #tpu.memory_space<vmem>>, vector<1x16xf32>,
        %get3A_221 = vector.shape_cast %get3A_220 : vector<1x16xf32> to vector<16xf32>
        %add3A_222 = arith.addf %add3A_215, %get3A_221 : vector<16xf32>
        %add3A_223 = arith.constant 7 : i32
        %add3A_224 = arith.addi %mul3A_106, %add3A_223 : i32
        %get3A_225 = arith.index_cast %add3A_224 : i32 to index
        %get3A_226 = arith.constant 16 : index
        %get3A_227 = tpu.vector_load %arg9[%get3A_225, %get3A_226] {strides = array<i32>} : memref<320x128xf32, #tpu.memory_space<vmem>>, vector<1x16xf32>,
        %get3A_228 = vector.shape_cast %get3A_227 : vector<1x16xf32> to vector<16xf32>
        %add3A_229 = arith.addf %add3A_222, %get3A_228 : vector<16xf32>
        %add3A_230 = arith.constant 8 : i32
        %add3A_231 = arith.addi %mul3A_106, %add3A_230 : i32
        %get3A_232 = arith.index_cast %add3A_231 : i32 to index
        %get3A_233 = arith.constant 16 : index
        %get3A_234 = tpu.vector_load %arg9[%get3A_232, %get3A_233] {strides = array<i32>} : memref<320x128xf32, #tpu.memory_space<vmem>>, vector<1x16xf32>,
        %get3A_235 = vector.shape_cast %get3A_234 : vector<1x16xf32> to vector<16xf32>
        %add3A_236 = arith.addf %add3A_229, %get3A_235 : vector<16xf32>
        %add3A_237 = arith.constant 9 : i32
        %add3A_238 = arith.addi %mul3A_106, %add3A_237 : i32
        %get3A_239 = arith.index_cast %add3A_238 : i32 to index
        %get3A_240 = arith.constant 16 : index
        %get3A_241 = tpu.vector_load %arg9[%get3A_239, %get3A_240] {strides = array<i32>} : memref<320x128xf32, #tpu.memory_space<vmem>>, vector<1x16xf32>,
        %get3A_242 = vector.shape_cast %get3A_241 : vector<1x16xf32> to vector<16xf32>
        %add3A_243 = arith.addf %add3A_236, %get3A_242 : vector<16xf32>
        %swap3A_244 = arith.index_cast %scan3A_104 : i32 to index
        %swap3A_245 = arith.constant 16 : index
        %swap3A_246 = tpu.vector_load %arg11[%swap3A_244, %swap3A_245] {strides = array<i32>} : memref<32x128xf32, #tpu.memory_space<vmem>>, vector<1x16xf32>,
        %swap3A_247 = vector.shape_cast %swap3A_246 : vector<1x16xf32> to vector<16xf32>
        %swap3A_248 = vector.shape_cast %add3A_243 : vector<16xf32> to vector<1x16xf32>
        tpu.vector_store %arg11[%swap3A_244, %swap3A_245], %swap3A_248 {strides = array<i32>} : memref<32x128xf32, #tpu.memory_space<vmem>>, vector<1x16xf32>,
        %get3A_249 = arith.index_cast %mul3A_106 : i32 to index
        %get3A_250 = arith.constant 32 : index
        %get3A_251 = tpu.vector_load %arg9[%get3A_249, %get3A_250] {strides = array<i32>} : memref<320x128xf32, #tpu.memory_space<vmem>>, vector<1x16xf32>,
        %get3A_252 = vector.shape_cast %get3A_251 : vector<1x16xf32> to vector<16xf32>
        %add3A_253 = arith.constant 1 : i32
        %add3A_254 = arith.addi %mul3A_106, %add3A_253 : i32
        %get3A_255 = arith.index_cast %add3A_254 : i32 to index
        %get3A_256 = arith.constant 32 : index
        %get3A_257 = tpu.vector_load %arg9[%get3A_255, %get3A_256] {strides = array<i32>} : memref<320x128xf32, #tpu.memory_space<vmem>>, vector<1x16xf32>,
        %get3A_258 = vector.shape_cast %get3A_257 : vector<1x16xf32> to vector<16xf32>
        %add3A_259 = arith.addf %get3A_252, %get3A_258 : vector<16xf32>
        %add3A_260 = arith.constant 2 : i32
        %add3A_261 = arith.addi %mul3A_106, %add3A_260 : i32
        %get3A_262 = arith.index_cast %add3A_261 : i32 to index
        %get3A_263 = arith.constant 32 : index
        %get3A_264 = tpu.vector_load %arg9[%get3A_262, %get3A_263] {strides = array<i32>} : memref<320x128xf32, #tpu.memory_space<vmem>>, vector<1x16xf32>,
        %get3A_265 = vector.shape_cast %get3A_264 : vector<1x16xf32> to vector<16xf32>
        %add3A_266 = arith.addf %add3A_259, %get3A_265 : vector<16xf32>
        %add3A_267 = arith.constant 3 : i32
        %add3A_268 = arith.addi %mul3A_106, %add3A_267 : i32
        %get3A_269 = arith.index_cast %add3A_268 : i32 to index
        %get3A_270 = arith.constant 32 : index
        %get3A_271 = tpu.vector_load %arg9[%get3A_269, %get3A_270] {strides = array<i32>} : memref<320x128xf32, #tpu.memory_space<vmem>>, vector<1x16xf32>,
        %get3A_272 = vector.shape_cast %get3A_271 : vector<1x16xf32> to vector<16xf32>
        %add3A_273 = arith.addf %add3A_266, %get3A_272 : vector<16xf32>
        %add3A_274 = arith.constant 4 : i32
        %add3A_275 = arith.addi %mul3A_106, %add3A_274 : i32
        %get3A_276 = arith.index_cast %add3A_275 : i32 to index
        %get3A_277 = arith.constant 32 : index
        %get3A_278 = tpu.vector_load %arg9[%get3A_276, %get3A_277] {strides = array<i32>} : memref<320x128xf32, #tpu.memory_space<vmem>>, vector<1x16xf32>,
        %get3A_279 = vector.shape_cast %get3A_278 : vector<1x16xf32> to vector<16xf32>
        %add3A_280 = arith.addf %add3A_273, %get3A_279 : vector<16xf32>
        %add3A_281 = arith.constant 5 : i32
        %add3A_282 = arith.addi %mul3A_106, %add3A_281 : i32
        %get3A_283 = arith.index_cast %add3A_282 : i32 to index
        %get3A_284 = arith.constant 32 : index
        %get3A_285 = tpu.vector_load %arg9[%get3A_283, %get3A_284] {strides = array<i32>} : memref<320x128xf32, #tpu.memory_space<vmem>>, vector<1x16xf32>,
        %get3A_286 = vector.shape_cast %get3A_285 : vector<1x16xf32> to vector<16xf32>
        %add3A_287 = arith.addf %add3A_280, %get3A_286 : vector<16xf32>
        %add3A_288 = arith.constant 6 : i32
        %add3A_289 = arith.addi %mul3A_106, %add3A_288 : i32
        %get3A_290 = arith.index_cast %add3A_289 : i32 to index
        %get3A_291 = arith.constant 32 : index
        %get3A_292 = tpu.vector_load %arg9[%get3A_290, %get3A_291] {strides = array<i32>} : memref<320x128xf32, #tpu.memory_space<vmem>>, vector<1x16xf32>,
        %get3A_293 = vector.shape_cast %get3A_292 : vector<1x16xf32> to vector<16xf32>
        %add3A_294 = arith.addf %add3A_287, %get3A_293 : vector<16xf32>
        %add3A_295 = arith.constant 7 : i32
        %add3A_296 = arith.addi %mul3A_106, %add3A_295 : i32
        %get3A_297 = arith.index_cast %add3A_296 : i32 to index
        %get3A_298 = arith.constant 32 : index
        %get3A_299 = tpu.vector_load %arg9[%get3A_297, %get3A_298] {strides = array<i32>} : memref<320x128xf32, #tpu.memory_space<vmem>>, vector<1x16xf32>,
        %get3A_300 = vector.shape_cast %get3A_299 : vector<1x16xf32> to vector<16xf32>
        %add3A_301 = arith.addf %add3A_294, %get3A_300 : vector<16xf32>
        %add3A_302 = arith.constant 8 : i32
        %add3A_303 = arith.addi %mul3A_106, %add3A_302 : i32
        %get3A_304 = arith.index_cast %add3A_303 : i32 to index
        %get3A_305 = arith.constant 32 : index
        %get3A_306 = tpu.vector_load %arg9[%get3A_304, %get3A_305] {strides = array<i32>} : memref<320x128xf32, #tpu.memory_space<vmem>>, vector<1x16xf32>,
        %get3A_307 = vector.shape_cast %get3A_306 : vector<1x16xf32> to vector<16xf32>
        %add3A_308 = arith.addf %add3A_301, %get3A_307 : vector<16xf32>
        %add3A_309 = arith.constant 9 : i32
        %add3A_310 = arith.addi %mul3A_106, %add3A_309 : i32
        %get3A_311 = arith.index_cast %add3A_310 : i32 to index
        %get3A_312 = arith.constant 32 : index
        %get3A_313 = tpu.vector_load %arg9[%get3A_311, %get3A_312] {strides = array<i32>} : memref<320x128xf32, #tpu.memory_space<vmem>>, vector<1x16xf32>,
        %get3A_314 = vector.shape_cast %get3A_313 : vector<1x16xf32> to vector<16xf32>
        %add3A_315 = arith.addf %add3A_308, %get3A_314 : vector<16xf32>
        %swap3A_316 = arith.index_cast %scan3A_104 : i32 to index
        %swap3A_317 = arith.constant 32 : index
        %swap3A_318 = tpu.vector_load %arg11[%swap3A_316, %swap3A_317] {strides = array<i32>} : memref<32x128xf32, #tpu.memory_space<vmem>>, vector<1x16xf32>,
        %swap3A_319 = vector.shape_cast %swap3A_318 : vector<1x16xf32> to vector<16xf32>
        %swap3A_320 = vector.shape_cast %add3A_315 : vector<16xf32> to vector<1x16xf32>
        tpu.vector_store %arg11[%swap3A_316, %swap3A_317], %swap3A_320 {strides = array<i32>} : memref<32x128xf32, #tpu.memory_space<vmem>>, vector<1x16xf32>,
        %get3A_321 = arith.index_cast %mul3A_106 : i32 to index
        %get3A_322 = arith.constant 48 : index
        %get3A_323 = tpu.vector_load %arg9[%get3A_321, %get3A_322] {strides = array<i32>} : memref<320x128xf32, #tpu.memory_space<vmem>>, vector<1x16xf32>,
        %get3A_324 = vector.shape_cast %get3A_323 : vector<1x16xf32> to vector<16xf32>
        %add3A_325 = arith.constant 1 : i32
        %add3A_326 = arith.addi %mul3A_106, %add3A_325 : i32
        %get3A_327 = arith.index_cast %add3A_326 : i32 to index
        %get3A_328 = arith.constant 48 : index
        %get3A_329 = tpu.vector_load %arg9[%get3A_327, %get3A_328] {strides = array<i32>} : memref<320x128xf32, #tpu.memory_space<vmem>>, vector<1x16xf32>,
        %get3A_330 = vector.shape_cast %get3A_329 : vector<1x16xf32> to vector<16xf32>
        %add3A_331 = arith.addf %get3A_324, %get3A_330 : vector<16xf32>
        %add3A_332 = arith.constant 2 : i32
        %add3A_333 = arith.addi %mul3A_106, %add3A_332 : i32
        %get3A_334 = arith.index_cast %add3A_333 : i32 to index
        %get3A_335 = arith.constant 48 : index
        %get3A_336 = tpu.vector_load %arg9[%get3A_334, %get3A_335] {strides = array<i32>} : memref<320x128xf32, #tpu.memory_space<vmem>>, vector<1x16xf32>,
        %get3A_337 = vector.shape_cast %get3A_336 : vector<1x16xf32> to vector<16xf32>
        %add3A_338 = arith.addf %add3A_331, %get3A_337 : vector<16xf32>
        %add3A_339 = arith.constant 3 : i32
        %add3A_340 = arith.addi %mul3A_106, %add3A_339 : i32
        %get3A_341 = arith.index_cast %add3A_340 : i32 to index
        %get3A_342 = arith.constant 48 : index
        %get3A_343 = tpu.vector_load %arg9[%get3A_341, %get3A_342] {strides = array<i32>} : memref<320x128xf32, #tpu.memory_space<vmem>>, vector<1x16xf32>,
        %get3A_344 = vector.shape_cast %get3A_343 : vector<1x16xf32> to vector<16xf32>
        %add3A_345 = arith.addf %add3A_338, %get3A_344 : vector<16xf32>
        %add3A_346 = arith.constant 4 : i32
        %add3A_347 = arith.addi %mul3A_106, %add3A_346 : i32
        %get3A_348 = arith.index_cast %add3A_347 : i32 to index
        %get3A_349 = arith.constant 48 : index
        %get3A_350 = tpu.vector_load %arg9[%get3A_348, %get3A_349] {strides = array<i32>} : memref<320x128xf32, #tpu.memory_space<vmem>>, vector<1x16xf32>,
        %get3A_351 = vector.shape_cast %get3A_350 : vector<1x16xf32> to vector<16xf32>
        %add3A_352 = arith.addf %add3A_345, %get3A_351 : vector<16xf32>
        %add3A_353 = arith.constant 5 : i32
        %add3A_354 = arith.addi %mul3A_106, %add3A_353 : i32
        %get3A_355 = arith.index_cast %add3A_354 : i32 to index
        %get3A_356 = arith.constant 48 : index
        %get3A_357 = tpu.vector_load %arg9[%get3A_355, %get3A_356] {strides = array<i32>} : memref<320x128xf32, #tpu.memory_space<vmem>>, vector<1x16xf32>,
        %get3A_358 = vector.shape_cast %get3A_357 : vector<1x16xf32> to vector<16xf32>
        %add3A_359 = arith.addf %add3A_352, %get3A_358 : vector<16xf32>
        %add3A_360 = arith.constant 6 : i32
        %add3A_361 = arith.addi %mul3A_106, %add3A_360 : i32
        %get3A_362 = arith.index_cast %add3A_361 : i32 to index
        %get3A_363 = arith.constant 48 : index
        %get3A_364 = tpu.vector_load %arg9[%get3A_362, %get3A_363] {strides = array<i32>} : memref<320x128xf32, #tpu.memory_space<vmem>>, vector<1x16xf32>,
        %get3A_365 = vector.shape_cast %get3A_364 : vector<1x16xf32> to vector<16xf32>
        %add3A_366 = arith.addf %add3A_359, %get3A_365 : vector<16xf32>
        %add3A_367 = arith.constant 7 : i32
        %add3A_368 = arith.addi %mul3A_106, %add3A_367 : i32
        %get3A_369 = arith.index_cast %add3A_368 : i32 to index
        %get3A_370 = arith.constant 48 : index
        %get3A_371 = tpu.vector_load %arg9[%get3A_369, %get3A_370] {strides = array<i32>} : memref<320x128xf32, #tpu.memory_space<vmem>>, vector<1x16xf32>,
        %get3A_372 = vector.shape_cast %get3A_371 : vector<1x16xf32> to vector<16xf32>
        %add3A_373 = arith.addf %add3A_366, %get3A_372 : vector<16xf32>
        %add3A_374 = arith.constant 8 : i32
        %add3A_375 = arith.addi %mul3A_106, %add3A_374 : i32
        %get3A_376 = arith.index_cast %add3A_375 : i32 to index
        %get3A_377 = arith.constant 48 : index
        %get3A_378 = tpu.vector_load %arg9[%get3A_376, %get3A_377] {strides = array<i32>} : memref<320x128xf32, #tpu.memory_space<vmem>>, vector<1x16xf32>,
        %get3A_379 = vector.shape_cast %get3A_378 : vector<1x16xf32> to vector<16xf32>
        %add3A_380 = arith.addf %add3A_373, %get3A_379 : vector<16xf32>
        %add3A_381 = arith.constant 9 : i32
        %add3A_382 = arith.addi %mul3A_106, %add3A_381 : i32
        %get3A_383 = arith.index_cast %add3A_382 : i32 to index
        %get3A_384 = arith.constant 48 : index
        %get3A_385 = tpu.vector_load %arg9[%get3A_383, %get3A_384] {strides = array<i32>} : memref<320x128xf32, #tpu.memory_space<vmem>>, vector<1x16xf32>,
        %get3A_386 = vector.shape_cast %get3A_385 : vector<1x16xf32> to vector<16xf32>
        %add3A_387 = arith.addf %add3A_380, %get3A_386 : vector<16xf32>
        %swap3A_388 = arith.index_cast %scan3A_104 : i32 to index
        %swap3A_389 = arith.constant 48 : index
        %swap3A_390 = tpu.vector_load %arg11[%swap3A_388, %swap3A_389] {strides = array<i32>} : memref<32x128xf32, #tpu.memory_space<vmem>>, vector<1x16xf32>,
        %swap3A_391 = vector.shape_cast %swap3A_390 : vector<1x16xf32> to vector<16xf32>
        %swap3A_392 = vector.shape_cast %add3A_387 : vector<16xf32> to vector<1x16xf32>
        tpu.vector_store %arg11[%swap3A_388, %swap3A_389], %swap3A_392 {strides = array<i32>} : memref<32x128xf32, #tpu.memory_space<vmem>>, vector<1x16xf32>,
        %get3A_393 = arith.index_cast %mul3A_106 : i32 to index
        %get3A_394 = arith.constant 64 : index
        %get3A_395 = tpu.vector_load %arg9[%get3A_393, %get3A_394] {strides = array<i32>} : memref<320x128xf32, #tpu.memory_space<vmem>>, vector<1x16xf32>,
        %get3A_396 = vector.shape_cast %get3A_395 : vector<1x16xf32> to vector<16xf32>
        %add3A_397 = arith.constant 1 : i32
        %add3A_398 = arith.addi %mul3A_106, %add3A_397 : i32
        %get3A_399 = arith.index_cast %add3A_398 : i32 to index
        %get3A_400 = arith.constant 64 : index
        %get3A_401 = tpu.vector_load %arg9[%get3A_399, %get3A_400] {strides = array<i32>} : memref<320x128xf32, #tpu.memory_space<vmem>>, vector<1x16xf32>,
        %get3A_402 = vector.shape_cast %get3A_401 : vector<1x16xf32> to vector<16xf32>
        %add3A_403 = arith.addf %get3A_396, %get3A_402 : vector<16xf32>
        %add3A_404 = arith.constant 2 : i32
        %add3A_405 = arith.addi %mul3A_106, %add3A_404 : i32
        %get3A_406 = arith.index_cast %add3A_405 : i32 to index
        %get3A_407 = arith.constant 64 : index
        %get3A_408 = tpu.vector_load %arg9[%get3A_406, %get3A_407] {strides = array<i32>} : memref<320x128xf32, #tpu.memory_space<vmem>>, vector<1x16xf32>,
        %get3A_409 = vector.shape_cast %get3A_408 : vector<1x16xf32> to vector<16xf32>
        %add3A_410 = arith.addf %add3A_403, %get3A_409 : vector<16xf32>
        %add3A_411 = arith.constant 3 : i32
        %add3A_412 = arith.addi %mul3A_106, %add3A_411 : i32
        %get3A_413 = arith.index_cast %add3A_412 : i32 to index
        %get3A_414 = arith.constant 64 : index
        %get3A_415 = tpu.vector_load %arg9[%get3A_413, %get3A_414] {strides = array<i32>} : memref<320x128xf32, #tpu.memory_space<vmem>>, vector<1x16xf32>,
        %get3A_416 = vector.shape_cast %get3A_415 : vector<1x16xf32> to vector<16xf32>
        %add3A_417 = arith.addf %add3A_410, %get3A_416 : vector<16xf32>
        %add3A_418 = arith.constant 4 : i32
        %add3A_419 = arith.addi %mul3A_106, %add3A_418 : i32
        %get3A_420 = arith.index_cast %add3A_419 : i32 to index
        %get3A_421 = arith.constant 64 : index
        %get3A_422 = tpu.vector_load %arg9[%get3A_420, %get3A_421] {strides = array<i32>} : memref<320x128xf32, #tpu.memory_space<vmem>>, vector<1x16xf32>,
        %get3A_423 = vector.shape_cast %get3A_422 : vector<1x16xf32> to vector<16xf32>
        %add3A_424 = arith.addf %add3A_417, %get3A_423 : vector<16xf32>
        %add3A_425 = arith.constant 5 : i32
        %add3A_426 = arith.addi %mul3A_106, %add3A_425 : i32
        %get3A_427 = arith.index_cast %add3A_426 : i32 to index
        %get3A_428 = arith.constant 64 : index
        %get3A_429 = tpu.vector_load %arg9[%get3A_427, %get3A_428] {strides = array<i32>} : memref<320x128xf32, #tpu.memory_space<vmem>>, vector<1x16xf32>,
        %get3A_430 = vector.shape_cast %get3A_429 : vector<1x16xf32> to vector<16xf32>
        %add3A_431 = arith.addf %add3A_424, %get3A_430 : vector<16xf32>
        %add3A_432 = arith.constant 6 : i32
        %add3A_433 = arith.addi %mul3A_106, %add3A_432 : i32
        %get3A_434 = arith.index_cast %add3A_433 : i32 to index
        %get3A_435 = arith.constant 64 : index
        %get3A_436 = tpu.vector_load %arg9[%get3A_434, %get3A_435] {strides = array<i32>} : memref<320x128xf32, #tpu.memory_space<vmem>>, vector<1x16xf32>,
        %get3A_437 = vector.shape_cast %get3A_436 : vector<1x16xf32> to vector<16xf32>
        %add3A_438 = arith.addf %add3A_431, %get3A_437 : vector<16xf32>
        %add3A_439 = arith.constant 7 : i32
        %add3A_440 = arith.addi %mul3A_106, %add3A_439 : i32
        %get3A_441 = arith.index_cast %add3A_440 : i32 to index
        %get3A_442 = arith.constant 64 : index
        %get3A_443 = tpu.vector_load %arg9[%get3A_441, %get3A_442] {strides = array<i32>} : memref<320x128xf32, #tpu.memory_space<vmem>>, vector<1x16xf32>,
        %get3A_444 = vector.shape_cast %get3A_443 : vector<1x16xf32> to vector<16xf32>
        %add3A_445 = arith.addf %add3A_438, %get3A_444 : vector<16xf32>
        %add3A_446 = arith.constant 8 : i32
        %add3A_447 = arith.addi %mul3A_106, %add3A_446 : i32
        %get3A_448 = arith.index_cast %add3A_447 : i32 to index
        %get3A_449 = arith.constant 64 : index
        %get3A_450 = tpu.vector_load %arg9[%get3A_448, %get3A_449] {strides = array<i32>} : memref<320x128xf32, #tpu.memory_space<vmem>>, vector<1x16xf32>,
        %get3A_451 = vector.shape_cast %get3A_450 : vector<1x16xf32> to vector<16xf32>
        %add3A_452 = arith.addf %add3A_445, %get3A_451 : vector<16xf32>
        %add3A_453 = arith.constant 9 : i32
        %add3A_454 = arith.addi %mul3A_106, %add3A_453 : i32
        %get3A_455 = arith.index_cast %add3A_454 : i32 to index
        %get3A_456 = arith.constant 64 : index
        %get3A_457 = tpu.vector_load %arg9[%get3A_455, %get3A_456] {strides = array<i32>} : memref<320x128xf32, #tpu.memory_space<vmem>>, vector<1x16xf32>,
        %get3A_458 = vector.shape_cast %get3A_457 : vector<1x16xf32> to vector<16xf32>
        %add3A_459 = arith.addf %add3A_452, %get3A_458 : vector<16xf32>
        %swap3A_460 = arith.index_cast %scan3A_104 : i32 to index
        %swap3A_461 = arith.constant 64 : index
        %swap3A_462 = tpu.vector_load %arg11[%swap3A_460, %swap3A_461] {strides = array<i32>} : memref<32x128xf32, #tpu.memory_space<vmem>>, vector<1x16xf32>,
        %swap3A_463 = vector.shape_cast %swap3A_462 : vector<1x16xf32> to vector<16xf32>
        %swap3A_464 = vector.shape_cast %add3A_459 : vector<16xf32> to vector<1x16xf32>
        tpu.vector_store %arg11[%swap3A_460, %swap3A_461], %swap3A_464 {strides = array<i32>} : memref<32x128xf32, #tpu.memory_space<vmem>>, vector<1x16xf32>,
        %get3A_465 = arith.index_cast %mul3A_106 : i32 to index
        %get3A_466 = arith.constant 80 : index
        %get3A_467 = tpu.vector_load %arg9[%get3A_465, %get3A_466] {strides = array<i32>} : memref<320x128xf32, #tpu.memory_space<vmem>>, vector<1x16xf32>,
        %get3A_468 = vector.shape_cast %get3A_467 : vector<1x16xf32> to vector<16xf32>
        %add3A_469 = arith.constant 1 : i32
        %add3A_470 = arith.addi %mul3A_106, %add3A_469 : i32
        %get3A_471 = arith.index_cast %add3A_470 : i32 to index
        %get3A_472 = arith.constant 80 : index
        %get3A_473 = tpu.vector_load %arg9[%get3A_471, %get3A_472] {strides = array<i32>} : memref<320x128xf32, #tpu.memory_space<vmem>>, vector<1x16xf32>,
        %get3A_474 = vector.shape_cast %get3A_473 : vector<1x16xf32> to vector<16xf32>
        %add3A_475 = arith.addf %get3A_468, %get3A_474 : vector<16xf32>
        %add3A_476 = arith.constant 2 : i32
        %add3A_477 = arith.addi %mul3A_106, %add3A_476 : i32
        %get3A_478 = arith.index_cast %add3A_477 : i32 to index
        %get3A_479 = arith.constant 80 : index
        %get3A_480 = tpu.vector_load %arg9[%get3A_478, %get3A_479] {strides = array<i32>} : memref<320x128xf32, #tpu.memory_space<vmem>>, vector<1x16xf32>,
        %get3A_481 = vector.shape_cast %get3A_480 : vector<1x16xf32> to vector<16xf32>
        %add3A_482 = arith.addf %add3A_475, %get3A_481 : vector<16xf32>
        %add3A_483 = arith.constant 3 : i32
        %add3A_484 = arith.addi %mul3A_106, %add3A_483 : i32
        %get3A_485 = arith.index_cast %add3A_484 : i32 to index
        %get3A_486 = arith.constant 80 : index
        %get3A_487 = tpu.vector_load %arg9[%get3A_485, %get3A_486] {strides = array<i32>} : memref<320x128xf32, #tpu.memory_space<vmem>>, vector<1x16xf32>,
        %get3A_488 = vector.shape_cast %get3A_487 : vector<1x16xf32> to vector<16xf32>
        %add3A_489 = arith.addf %add3A_482, %get3A_488 : vector<16xf32>
        %add3A_490 = arith.constant 4 : i32
        %add3A_491 = arith.addi %mul3A_106, %add3A_490 : i32
        %get3A_492 = arith.index_cast %add3A_491 : i32 to index
        %get3A_493 = arith.constant 80 : index
        %get3A_494 = tpu.vector_load %arg9[%get3A_492, %get3A_493] {strides = array<i32>} : memref<320x128xf32, #tpu.memory_space<vmem>>, vector<1x16xf32>,
        %get3A_495 = vector.shape_cast %get3A_494 : vector<1x16xf32> to vector<16xf32>
        %add3A_496 = arith.addf %add3A_489, %get3A_495 : vector<16xf32>
        %add3A_497 = arith.constant 5 : i32
        %add3A_498 = arith.addi %mul3A_106, %add3A_497 : i32
        %get3A_499 = arith.index_cast %add3A_498 : i32 to index
        %get3A_500 = arith.constant 80 : index
        %get3A_501 = tpu.vector_load %arg9[%get3A_499, %get3A_500] {strides = array<i32>} : memref<320x128xf32, #tpu.memory_space<vmem>>, vector<1x16xf32>,
        %get3A_502 = vector.shape_cast %get3A_501 : vector<1x16xf32> to vector<16xf32>
        %add3A_503 = arith.addf %add3A_496, %get3A_502 : vector<16xf32>
        %add3A_504 = arith.constant 6 : i32
        %add3A_505 = arith.addi %mul3A_106, %add3A_504 : i32
        %get3A_506 = arith.index_cast %add3A_505 : i32 to index
        %get3A_507 = arith.constant 80 : index
        %get3A_508 = tpu.vector_load %arg9[%get3A_506, %get3A_507] {strides = array<i32>} : memref<320x128xf32, #tpu.memory_space<vmem>>, vector<1x16xf32>,
        %get3A_509 = vector.shape_cast %get3A_508 : vector<1x16xf32> to vector<16xf32>
        %add3A_510 = arith.addf %add3A_503, %get3A_509 : vector<16xf32>
        %add3A_511 = arith.constant 7 : i32
        %add3A_512 = arith.addi %mul3A_106, %add3A_511 : i32
        %get3A_513 = arith.index_cast %add3A_512 : i32 to index
        %get3A_514 = arith.constant 80 : index
        %get3A_515 = tpu.vector_load %arg9[%get3A_513, %get3A_514] {strides = array<i32>} : memref<320x128xf32, #tpu.memory_space<vmem>>, vector<1x16xf32>,
        %get3A_516 = vector.shape_cast %get3A_515 : vector<1x16xf32> to vector<16xf32>
        %add3A_517 = arith.addf %add3A_510, %get3A_516 : vector<16xf32>
        %add3A_518 = arith.constant 8 : i32
        %add3A_519 = arith.addi %mul3A_106, %add3A_518 : i32
        %get3A_520 = arith.index_cast %add3A_519 : i32 to index
        %get3A_521 = arith.constant 80 : index
        %get3A_522 = tpu.vector_load %arg9[%get3A_520, %get3A_521] {strides = array<i32>} : memref<320x128xf32, #tpu.memory_space<vmem>>, vector<1x16xf32>,
        %get3A_523 = vector.shape_cast %get3A_522 : vector<1x16xf32> to vector<16xf32>
        %add3A_524 = arith.addf %add3A_517, %get3A_523 : vector<16xf32>
        %add3A_525 = arith.constant 9 : i32
        %add3A_526 = arith.addi %mul3A_106, %add3A_525 : i32
        %get3A_527 = arith.index_cast %add3A_526 : i32 to index
        %get3A_528 = arith.constant 80 : index
        %get3A_529 = tpu.vector_load %arg9[%get3A_527, %get3A_528] {strides = array<i32>} : memref<320x128xf32, #tpu.memory_space<vmem>>, vector<1x16xf32>,
        %get3A_530 = vector.shape_cast %get3A_529 : vector<1x16xf32> to vector<16xf32>
        %add3A_531 = arith.addf %add3A_524, %get3A_530 : vector<16xf32>
        %swap3A_532 = arith.index_cast %scan3A_104 : i32 to index
        %swap3A_533 = arith.constant 80 : index
        %swap3A_534 = tpu.vector_load %arg11[%swap3A_532, %swap3A_533] {strides = array<i32>} : memref<32x128xf32, #tpu.memory_space<vmem>>, vector<1x16xf32>,
        %swap3A_535 = vector.shape_cast %swap3A_534 : vector<1x16xf32> to vector<16xf32>
        %swap3A_536 = vector.shape_cast %add3A_531 : vector<16xf32> to vector<1x16xf32>
        tpu.vector_store %arg11[%swap3A_532, %swap3A_533], %swap3A_536 {strides = array<i32>} : memref<32x128xf32, #tpu.memory_space<vmem>>, vector<1x16xf32>,
        %get3A_537 = arith.index_cast %mul3A_106 : i32 to index
        %get3A_538 = arith.constant 96 : index
        %get3A_539 = tpu.vector_load %arg9[%get3A_537, %get3A_538] {strides = array<i32>} : memref<320x128xf32, #tpu.memory_space<vmem>>, vector<1x16xf32>,
        %get3A_540 = vector.shape_cast %get3A_539 : vector<1x16xf32> to vector<16xf32>
        %add3A_541 = arith.constant 1 : i32
        %add3A_542 = arith.addi %mul3A_106, %add3A_541 : i32
        %get3A_543 = arith.index_cast %add3A_542 : i32 to index
        %get3A_544 = arith.constant 96 : index
        %get3A_545 = tpu.vector_load %arg9[%get3A_543, %get3A_544] {strides = array<i32>} : memref<320x128xf32, #tpu.memory_space<vmem>>, vector<1x16xf32>,
        %get3A_546 = vector.shape_cast %get3A_545 : vector<1x16xf32> to vector<16xf32>
        %add3A_547 = arith.addf %get3A_540, %get3A_546 : vector<16xf32>
        %add3A_548 = arith.constant 2 : i32
        %add3A_549 = arith.addi %mul3A_106, %add3A_548 : i32
        %get3A_550 = arith.index_cast %add3A_549 : i32 to index
        %get3A_551 = arith.constant 96 : index
        %get3A_552 = tpu.vector_load %arg9[%get3A_550, %get3A_551] {strides = array<i32>} : memref<320x128xf32, #tpu.memory_space<vmem>>, vector<1x16xf32>,
        %get3A_553 = vector.shape_cast %get3A_552 : vector<1x16xf32> to vector<16xf32>
        %add3A_554 = arith.addf %add3A_547, %get3A_553 : vector<16xf32>
        %add3A_555 = arith.constant 3 : i32
        %add3A_556 = arith.addi %mul3A_106, %add3A_555 : i32
        %get3A_557 = arith.index_cast %add3A_556 : i32 to index
        %get3A_558 = arith.constant 96 : index
        %get3A_559 = tpu.vector_load %arg9[%get3A_557, %get3A_558] {strides = array<i32>} : memref<320x128xf32, #tpu.memory_space<vmem>>, vector<1x16xf32>,
        %get3A_560 = vector.shape_cast %get3A_559 : vector<1x16xf32> to vector<16xf32>
        %add3A_561 = arith.addf %add3A_554, %get3A_560 : vector<16xf32>
        %add3A_562 = arith.constant 4 : i32
        %add3A_563 = arith.addi %mul3A_106, %add3A_562 : i32
        %get3A_564 = arith.index_cast %add3A_563 : i32 to index
        %get3A_565 = arith.constant 96 : index
        %get3A_566 = tpu.vector_load %arg9[%get3A_564, %get3A_565] {strides = array<i32>} : memref<320x128xf32, #tpu.memory_space<vmem>>, vector<1x16xf32>,
        %get3A_567 = vector.shape_cast %get3A_566 : vector<1x16xf32> to vector<16xf32>
        %add3A_568 = arith.addf %add3A_561, %get3A_567 : vector<16xf32>
        %add3A_569 = arith.constant 5 : i32
        %add3A_570 = arith.addi %mul3A_106, %add3A_569 : i32
        %get3A_571 = arith.index_cast %add3A_570 : i32 to index
        %get3A_572 = arith.constant 96 : index
        %get3A_573 = tpu.vector_load %arg9[%get3A_571, %get3A_572] {strides = array<i32>} : memref<320x128xf32, #tpu.memory_space<vmem>>, vector<1x16xf32>,
        %get3A_574 = vector.shape_cast %get3A_573 : vector<1x16xf32> to vector<16xf32>
        %add3A_575 = arith.addf %add3A_568, %get3A_574 : vector<16xf32>
        %add3A_576 = arith.constant 6 : i32
        %add3A_577 = arith.addi %mul3A_106, %add3A_576 : i32
        %get3A_578 = arith.index_cast %add3A_577 : i32 to index
        %get3A_579 = arith.constant 96 : index
        %get3A_580 = tpu.vector_load %arg9[%get3A_578, %get3A_579] {strides = array<i32>} : memref<320x128xf32, #tpu.memory_space<vmem>>, vector<1x16xf32>,
        %get3A_581 = vector.shape_cast %get3A_580 : vector<1x16xf32> to vector<16xf32>
        %add3A_582 = arith.addf %add3A_575, %get3A_581 : vector<16xf32>
        %add3A_583 = arith.constant 7 : i32
        %add3A_584 = arith.addi %mul3A_106, %add3A_583 : i32
        %get3A_585 = arith.index_cast %add3A_584 : i32 to index
        %get3A_586 = arith.constant 96 : index
        %get3A_587 = tpu.vector_load %arg9[%get3A_585, %get3A_586] {strides = array<i32>} : memref<320x128xf32, #tpu.memory_space<vmem>>, vector<1x16xf32>,
        %get3A_588 = vector.shape_cast %get3A_587 : vector<1x16xf32> to vector<16xf32>
        %add3A_589 = arith.addf %add3A_582, %get3A_588 : vector<16xf32>
        %add3A_590 = arith.constant 8 : i32
        %add3A_591 = arith.addi %mul3A_106, %add3A_590 : i32
        %get3A_592 = arith.index_cast %add3A_591 : i32 to index
        %get3A_593 = arith.constant 96 : index
        %get3A_594 = tpu.vector_load %arg9[%get3A_592, %get3A_593] {strides = array<i32>} : memref<320x128xf32, #tpu.memory_space<vmem>>, vector<1x16xf32>,
        %get3A_595 = vector.shape_cast %get3A_594 : vector<1x16xf32> to vector<16xf32>
        %add3A_596 = arith.addf %add3A_589, %get3A_595 : vector<16xf32>
        %add3A_597 = arith.constant 9 : i32
        %add3A_598 = arith.addi %mul3A_106, %add3A_597 : i32
        %get3A_599 = arith.index_cast %add3A_598 : i32 to index
        %get3A_600 = arith.constant 96 : index
        %get3A_601 = tpu.vector_load %arg9[%get3A_599, %get3A_600] {strides = array<i32>} : memref<320x128xf32, #tpu.memory_space<vmem>>, vector<1x16xf32>,
        %get3A_602 = vector.shape_cast %get3A_601 : vector<1x16xf32> to vector<16xf32>
        %add3A_603 = arith.addf %add3A_596, %get3A_602 : vector<16xf32>
        %swap3A_604 = arith.index_cast %scan3A_104 : i32 to index
        %swap3A_605 = arith.constant 96 : index
        %swap3A_606 = tpu.vector_load %arg11[%swap3A_604, %swap3A_605] {strides = array<i32>} : memref<32x128xf32, #tpu.memory_space<vmem>>, vector<1x16xf32>,
        %swap3A_607 = vector.shape_cast %swap3A_606 : vector<1x16xf32> to vector<16xf32>
        %swap3A_608 = vector.shape_cast %add3A_603 : vector<16xf32> to vector<1x16xf32>
        tpu.vector_store %arg11[%swap3A_604, %swap3A_605], %swap3A_608 {strides = array<i32>} : memref<32x128xf32, #tpu.memory_space<vmem>>, vector<1x16xf32>,
        %get3A_609 = arith.index_cast %mul3A_106 : i32 to index
        %get3A_610 = arith.constant 112 : index
        %get3A_611 = tpu.vector_load %arg9[%get3A_609, %get3A_610] {strides = array<i32>} : memref<320x128xf32, #tpu.memory_space<vmem>>, vector<1x16xf32>,
        %get3A_612 = vector.shape_cast %get3A_611 : vector<1x16xf32> to vector<16xf32>
        %add3A_613 = arith.constant 1 : i32
        %add3A_614 = arith.addi %mul3A_106, %add3A_613 : i32
        %get3A_615 = arith.index_cast %add3A_614 : i32 to index
        %get3A_616 = arith.constant 112 : index
        %get3A_617 = tpu.vector_load %arg9[%get3A_615, %get3A_616] {strides = array<i32>} : memref<320x128xf32, #tpu.memory_space<vmem>>, vector<1x16xf32>,
        %get3A_618 = vector.shape_cast %get3A_617 : vector<1x16xf32> to vector<16xf32>
        %add3A_619 = arith.addf %get3A_612, %get3A_618 : vector<16xf32>
        %add3A_620 = arith.constant 2 : i32
        %add3A_621 = arith.addi %mul3A_106, %add3A_620 : i32
        %get3A_622 = arith.index_cast %add3A_621 : i32 to index
        %get3A_623 = arith.constant 112 : index
        %get3A_624 = tpu.vector_load %arg9[%get3A_622, %get3A_623] {strides = array<i32>} : memref<320x128xf32, #tpu.memory_space<vmem>>, vector<1x16xf32>,
        %get3A_625 = vector.shape_cast %get3A_624 : vector<1x16xf32> to vector<16xf32>
        %add3A_626 = arith.addf %add3A_619, %get3A_625 : vector<16xf32>
        %add3A_627 = arith.constant 3 : i32
        %add3A_628 = arith.addi %mul3A_106, %add3A_627 : i32
        %get3A_629 = arith.index_cast %add3A_628 : i32 to index
        %get3A_630 = arith.constant 112 : index
        %get3A_631 = tpu.vector_load %arg9[%get3A_629, %get3A_630] {strides = array<i32>} : memref<320x128xf32, #tpu.memory_space<vmem>>, vector<1x16xf32>,
        %get3A_632 = vector.shape_cast %get3A_631 : vector<1x16xf32> to vector<16xf32>
        %add3A_633 = arith.addf %add3A_626, %get3A_632 : vector<16xf32>
        %add3A_634 = arith.constant 4 : i32
        %add3A_635 = arith.addi %mul3A_106, %add3A_634 : i32
        %get3A_636 = arith.index_cast %add3A_635 : i32 to index
        %get3A_637 = arith.constant 112 : index
        %get3A_638 = tpu.vector_load %arg9[%get3A_636, %get3A_637] {strides = array<i32>} : memref<320x128xf32, #tpu.memory_space<vmem>>, vector<1x16xf32>,
        %get3A_639 = vector.shape_cast %get3A_638 : vector<1x16xf32> to vector<16xf32>
        %add3A_640 = arith.addf %add3A_633, %get3A_639 : vector<16xf32>
        %add3A_641 = arith.constant 5 : i32
        %add3A_642 = arith.addi %mul3A_106, %add3A_641 : i32
        %get3A_643 = arith.index_cast %add3A_642 : i32 to index
        %get3A_644 = arith.constant 112 : index
        %get3A_645 = tpu.vector_load %arg9[%get3A_643, %get3A_644] {strides = array<i32>} : memref<320x128xf32, #tpu.memory_space<vmem>>, vector<1x16xf32>,
        %get3A_646 = vector.shape_cast %get3A_645 : vector<1x16xf32> to vector<16xf32>
        %add3A_647 = arith.addf %add3A_640, %get3A_646 : vector<16xf32>
        %add3A_648 = arith.constant 6 : i32
        %add3A_649 = arith.addi %mul3A_106, %add3A_648 : i32
        %get3A_650 = arith.index_cast %add3A_649 : i32 to index
        %get3A_651 = arith.constant 112 : index
        %get3A_652 = tpu.vector_load %arg9[%get3A_650, %get3A_651] {strides = array<i32>} : memref<320x128xf32, #tpu.memory_space<vmem>>, vector<1x16xf32>,
        %get3A_653 = vector.shape_cast %get3A_652 : vector<1x16xf32> to vector<16xf32>
        %add3A_654 = arith.addf %add3A_647, %get3A_653 : vector<16xf32>
        %add3A_655 = arith.constant 7 : i32
        %add3A_656 = arith.addi %mul3A_106, %add3A_655 : i32
        %get3A_657 = arith.index_cast %add3A_656 : i32 to index
        %get3A_658 = arith.constant 112 : index
        %get3A_659 = tpu.vector_load %arg9[%get3A_657, %get3A_658] {strides = array<i32>} : memref<320x128xf32, #tpu.memory_space<vmem>>, vector<1x16xf32>,
        %get3A_660 = vector.shape_cast %get3A_659 : vector<1x16xf32> to vector<16xf32>
        %add3A_661 = arith.addf %add3A_654, %get3A_660 : vector<16xf32>
        %add3A_662 = arith.constant 8 : i32
        %add3A_663 = arith.addi %mul3A_106, %add3A_662 : i32
        %get3A_664 = arith.index_cast %add3A_663 : i32 to index
        %get3A_665 = arith.constant 112 : index
        %get3A_666 = tpu.vector_load %arg9[%get3A_664, %get3A_665] {strides = array<i32>} : memref<320x128xf32, #tpu.memory_space<vmem>>, vector<1x16xf32>,
        %get3A_667 = vector.shape_cast %get3A_666 : vector<1x16xf32> to vector<16xf32>
        %add3A_668 = arith.addf %add3A_661, %get3A_667 : vector<16xf32>
        %add3A_669 = arith.constant 9 : i32
        %add3A_670 = arith.addi %mul3A_106, %add3A_669 : i32
        %get3A_671 = arith.index_cast %add3A_670 : i32 to index
        %get3A_672 = arith.constant 112 : index
        %get3A_673 = tpu.vector_load %arg9[%get3A_671, %get3A_672] {strides = array<i32>} : memref<320x128xf32, #tpu.memory_space<vmem>>, vector<1x16xf32>,
        %get3A_674 = vector.shape_cast %get3A_673 : vector<1x16xf32> to vector<16xf32>
        %add3A_675 = arith.addf %add3A_668, %get3A_674 : vector<16xf32>
        %swap3A_676 = arith.index_cast %scan3A_104 : i32 to index
        %swap3A_677 = arith.constant 112 : index
        %swap3A_678 = tpu.vector_load %arg11[%swap3A_676, %swap3A_677] {strides = array<i32>} : memref<32x128xf32, #tpu.memory_space<vmem>>, vector<1x16xf32>,
        %swap3A_679 = vector.shape_cast %swap3A_678 : vector<1x16xf32> to vector<16xf32>
        %swap3A_680 = vector.shape_cast %add3A_675 : vector<16xf32> to vector<1x16xf32>
        tpu.vector_store %arg11[%swap3A_676, %swap3A_677], %swap3A_680 {strides = array<i32>} : memref<32x128xf32, #tpu.memory_space<vmem>>, vector<1x16xf32>,
      }
      %scan3A_103 = arith.constant 32 : i32
      "tpu.region"() ({
        %run_scoped3A = tpu.sem_alloc : memref<!tpu.dma_semaphore, #tpu.memory_space<semaphore_mem>>
        %dma_start3A_104 = arith.constant 0 : i32
        %dma_start3A_105 = tpu.memref_slice %arg6[%add3A_11, %dma_start3A_104] : memref<16384x128xf32, #tpu.memory_space<hbm>> -> memref<32x128xf32, #tpu.memory_space<hbm>>
        %dma_start3A_106 = arith.constant 0 : i32
        %dma_start3A_107 = tpu.memref_slice %arg6[%add3A_11, %dma_start3A_106] : memref<16384x128xf32, #tpu.memory_space<hbm>> -> memref<32x128xf32, #tpu.memory_space<hbm>>
        tpu.enqueue_dma source(%arg11 : memref<32x128xf32, #tpu.memory_space<vmem>>) target(%dma_start3A_107 : memref<32x128xf32, #tpu.memory_space<hbm>>) target_semaphore(%run_scoped3A : memref<!tpu.dma_semaphore, #tpu.memory_space<semaphore_mem>>)
        %dma_wait3A_108 = arith.constant 0 : i32
        %dma_wait3A_109 = tpu.memref_slice %arg6[%add3A_11, %dma_wait3A_108] : memref<16384x128xf32, #tpu.memory_space<hbm>> -> memref<32x128xf32, #tpu.memory_space<hbm>>
        %dma_wait3A_110 = arith.constant 0 : i32
        %dma_wait3A_111 = tpu.memref_slice %arg6[%add3A_11, %dma_wait3A_110] : memref<16384x128xf32, #tpu.memory_space<hbm>> -> memref<32x128xf32, #tpu.memory_space<hbm>>
        tpu.wait_dma2 semaphore(%run_scoped3A : memref<!tpu.dma_semaphore, #tpu.memory_space<semaphore_mem>>) src(%arg11 : memref<32x128xf32, #tpu.memory_space<vmem>>) dst(%dma_wait3A_111 : memref<32x128xf32, #tpu.memory_space<hbm>>)
        tpu.yield
      }) : () -> ()
      "tpu.region"() ({
        %run_scoped3A = tpu.sem_alloc : memref<!tpu.dma_semaphore, #tpu.memory_space<semaphore_mem>>
        %dma_start3A_104 = arith.constant 0 : i32
        %dma_start3A_105 = tpu.memref_slice %arg5[%add3A_11, %dma_start3A_104] : memref<16384x128xf32, #tpu.memory_space<hbm>> -> memref<32x128xf32, #tpu.memory_space<hbm>>
        %dma_start3A_106 = arith.constant 0 : i32
        %dma_start3A_107 = tpu.memref_slice %arg5[%add3A_11, %dma_start3A_106] : memref<16384x128xf32, #tpu.memory_space<hbm>> -> memref<32x128xf32, #tpu.memory_space<hbm>>
        tpu.enqueue_dma source(%arg10 : memref<32x128xf32, #tpu.memory_space<vmem>>) target(%dma_start3A_107 : memref<32x128xf32, #tpu.memory_space<hbm>>) target_semaphore(%run_scoped3A : memref<!tpu.dma_semaphore, #tpu.memory_space<semaphore_mem>>)
        %dma_wait3A_108 = arith.constant 0 : i32
        %dma_wait3A_109 = tpu.memref_slice %arg5[%add3A_11, %dma_wait3A_108] : memref<16384x128xf32, #tpu.memory_space<hbm>> -> memref<32x128xf32, #tpu.memory_space<hbm>>
        %dma_wait3A_110 = arith.constant 0 : i32
        %dma_wait3A_111 = tpu.memref_slice %arg5[%add3A_11, %dma_wait3A_110] : memref<16384x128xf32, #tpu.memory_space<hbm>> -> memref<32x128xf32, #tpu.memory_space<hbm>>
        tpu.wait_dma2 semaphore(%run_scoped3A : memref<!tpu.dma_semaphore, #tpu.memory_space<semaphore_mem>>) src(%arg10 : memref<32x128xf32, #tpu.memory_space<vmem>>) dst(%dma_wait3A_111 : memref<32x128xf32, #tpu.memory_space<hbm>>)
        tpu.yield
      }) : () -> ()
    }
    %scan3A_5 = arith.constant 16 : i32
    return
  }
}

module attributes {stable_mosaic.version = 14 : i64} {
  func.func @_tc_body(%arg0: i32, %arg1: memref<128x128xf32, #tpu.memory_space<vmem>>, %arg2: memref<128x128xf32, #tpu.memory_space<vmem>>, %arg3: memref<2048x128xf32, #tpu.memory_space<vmem>>, %arg4: memref<2048x128xf32, #tpu.memory_space<vmem>>, %arg5: memref<128x2048xf32, #tpu.memory_space<vmem>>) attributes {dimension_semantics = [#tpu.dimension_semantics<arbitrary>], iteration_bounds = array<i64: 8>, scalar_prefetch = 0 : i64, scratch_operands = 0 : i64, tpu.core_type = #tpu.core_type<tc>, window_params = [{pipeline_mode = #tpu.pipeline_mode<synchronous>, transform_indices = @transform_0, window_bounds = array<i64: 128, 128>}, {pipeline_mode = #tpu.pipeline_mode<synchronous>, transform_indices = @transform_1, window_bounds = array<i64: 128, 128>}, {transform_indices = @transform_2, window_bounds = array<i64: 2048, 128>}, {transform_indices = @transform_3, window_bounds = array<i64: 2048, 128>}, {transform_indices = @transform_4, window_bounds = array<i64: 128, 2048>}]} {
    %get3A = arith.constant 0 : index
    %get3A_0 = arith.constant 0 : index
    %get3A_1 = vector.load %arg1[%get3A, %get3A_0] : memref<128x128xf32, #tpu.memory_space<vmem>>, vector<128x128xf32>
    %get3A_2 = arith.constant 0 : index
    %get3A_3 = arith.constant 0 : index
    %get3A_4 = vector.load %arg3[%get3A_2, %get3A_3] : memref<2048x128xf32, #tpu.memory_space<vmem>>, vector<2048x128xf32>
    %dot_general3A = arith.constant dense<0.000000e+00> : vector<128x2048xf32>
    %dot_general3A_5 = tpu.matmul %get3A_1, %get3A_4, %dot_general3A {dimension_numbers = #tpu.dot_dimension_numbers<[1], [1], [0], [0], [0, 0, 1, 0], [], []>, transpose_lhs_hint = false} : vector<128x128xf32>, vector<2048x128xf32>, vector<128x2048xf32> -> vector<128x2048xf32>
    %get3A_6 = arith.constant 0 : index
    %get3A_7 = arith.constant 0 : index
    %get3A_8 = vector.load %arg2[%get3A_6, %get3A_7] : memref<128x128xf32, #tpu.memory_space<vmem>>, vector<128x128xf32>
    %get3A_9 = arith.constant 0 : index
    %get3A_10 = arith.constant 0 : index
    %get3A_11 = vector.load %arg4[%get3A_9, %get3A_10] : memref<2048x128xf32, #tpu.memory_space<vmem>>, vector<2048x128xf32>
    %dot_general3A_12 = arith.constant dense<0.000000e+00> : vector<128x2048xf32>
    %dot_general3A_13 = tpu.matmul %get3A_8, %get3A_11, %dot_general3A_12 {dimension_numbers = #tpu.dot_dimension_numbers<[1], [1], [0], [0], [0, 0, 1, 0], [], []>, transpose_lhs_hint = false} : vector<128x128xf32>, vector<2048x128xf32>, vector<128x2048xf32> -> vector<128x2048xf32>
    %mul3A = arith.constant 1.000000e-01 : f32
    %mul3A_14 = vector.broadcast %mul3A : f32 to vector<128x2048xf32>
    %mul3A_15 = arith.mulf %mul3A_14, %dot_general3A_13 : vector<128x2048xf32>
    %add3A = arith.addf %dot_general3A_5, %mul3A_15 : vector<128x2048xf32>
    %max3A = arith.constant 0.000000e+00 : f32
    %max3A_16 = vector.broadcast %max3A : f32 to vector<128x2048xf32>
    %max3A_17 = arith.maximumf %add3A, %max3A_16 : vector<128x2048xf32>
    %swap3A = arith.constant 0 : index
    %swap3A_18 = arith.constant 0 : index
    %swap3A_19 = vector.load %arg5[%swap3A, %swap3A_18] : memref<128x2048xf32, #tpu.memory_space<vmem>>, vector<128x2048xf32>
    tpu.vector_store %arg5[%swap3A, %swap3A_18], %max3A_17 {strides = array<i32>} : memref<128x2048xf32, #tpu.memory_space<vmem>>, vector<128x2048xf32>,
    return
  }
  func.func @transform_0(%arg0: i32) -> (i32, i32) {
    %c0_i32 = arith.constant 0 : i32
    %c0_i32_0 = arith.constant 0 : i32
    %c0_i32_1 = arith.constant 0 : i32
    return %c0_i32, %c0_i32_0 : i32, i32
  }
  func.func @transform_1(%arg0: i32) -> (i32, i32) {
    %c0_i32 = arith.constant 0 : i32
    %c0_i32_0 = arith.constant 0 : i32
    %c0_i32_1 = arith.constant 0 : i32
    return %c0_i32, %c0_i32_0 : i32, i32
  }
  func.func @transform_2(%arg0: i32) -> (i32, i32) {
    %c0_i32 = arith.constant 0 : i32
    %c0_i32_0 = arith.constant 0 : i32
    return %arg0, %c0_i32 : i32, i32
  }
  func.func @transform_3(%arg0: i32) -> (i32, i32) {
    %c0_i32 = arith.constant 0 : i32
    %c0_i32_0 = arith.constant 0 : i32
    return %arg0, %c0_i32 : i32, i32
  }
  func.func @transform_4(%arg0: i32) -> (i32, i32) {
    %c0_i32 = arith.constant 0 : i32
    %c0_i32_0 = arith.constant 0 : i32
    return %c0_i32, %arg0 : i32, i32
  }
}

</mosaic_0001>

<sc_bundles>
// kernel: kernel.4.cloned.1.call-start
scs
__scs_entry_jumppad:
0x0: {  	(pc) =	sbr.rel $0x88, $3  }
0x1: {  	(tag) =	ssettag $0x0;
	lr =	simm.s32 $0x1  }
0x2: {  	[smem:$0x3F9D] =	sst lr;
	_ =	strace $0xD0000000  }
0x3: {  	_ = 	snop  }
0x4: {  	_ = 	snop  }
0x5: {  	_ = 	snop  }
0x6: {  	_ = 	snop  }
0x7: {  	_ = 	snop  }
__scs_overlays_trampoline_lowered:
0x8: {  	[smem:$0x3FAC] =	sst s0  }
0x9: {  	[smem:$0x3FAD] =	sst s1  }
0xa: {  	[smem:$0x3FAE] =	sst s2  }
0xb: {  	[smem:$0x3FAF] =	sst s3  }
0xc: {  	[smem:$0x3FB0] =	sst s4  }
0xd: {  	[smem:$0x3FB1] =	sst s5  }
0xe: {  	[smem:$0x3FB2] =	sst s6  }
0xf: {  	[smem:$0x3FB3] =	sst s7  }
0x10: {  	[smem:$0x3FB4] =	sst s8  }
0x11: {  	[smem:$0x3FB5] =	sst s9;
	s0 =	simm.s32 @!p0 $0x0  }
0x12: {  	s1 =	sld [smem:$0x3F9B];
	s0 =	simm.s32 @p0 $0x1  }
0x13: {  	[smem:$0x3FB6] =	sst s0;
	s0 =	simm.s32 @!p1 $0x0  }
0x14: {  	s2 =	sld [smem:$0x3F9A];
	s0 =	simm.s32 @p1 $0x1  }
0x15: {  	[smem:$0x3FB7] =	sst s0;
	s0 =	simm.s32 @!p2 $0x0  }
0x16: {  	s3 =	sld [smem:$0x3FDB];
	s0 =	simm.s32 @p2 $0x1  }
0x17: {  	s4 =	simm.s32 $0x1BF5;
	[smem:$0x3FB9] =	sst s0  }
0x18: {  	s0 =	sld [smem:$0x3F9C];
	_ =	swait.ge [sflag:s4], $0x0  }
0x19: {  	s7 =	sld [smem:$0x3F9D]  }
0x1a: {  	s8 =	sadd.s32 $0xFFFFE003, lr  }
0x1b: {  	s9 =	sadd.s32 $0xFFFFFEF7, lr;
	s5 =	simm.s32 $0xFFFFFFFF;
	p2 =	slt.u32 s8, $0xFFFFF086  }
0x1c: {  	p1 =	slt.u32 s9, $0xF7A;
	s5 =	simm.s32 @!p2 $0x0  }
0x1d: {  	s5 =	simm.s32 @p1 $0x1;
	p0 =	seq.s32 s7, s2  }
0x1e: {  	s7 =	smul.u32 @!p0 $0xF7A, s2;
	p2 =	seq.s32 @!p0 s5, $0x0  }
0x1f: {  	s9 =	smul.u32 $0xF7A, s1;
	s8 =	simm.s32 @!p0 $0x1BF5;
	p2 =	por !p2, p0  }
0x20: {  	[sflag:s8] =	ssyncset.s32 @!p0 $0xFFFFF086;
	s6 =	sadd.s32 @!p0 s3, s7;
	s7 =	simm.s32 @!p0 $0x108  }
0x21: {  	s3 =	sadd.s32 s3, s9;
	s6 =	sadd.s32 @!p0 $0x88, s6;
	s7 =	simm.s32 @p2 $0x1082  }
0x22: {  	[simem:s7], [sflag:s8] =	dma.local @!p0 [hbm:s6], $0xF7A  }
0x23: {  	s9 =	sor.u32 $0xD0000000, s2;
	s6 =	simm.s32 $0x108;
	_ =	swait.ge @!p0 [sflag:s8], $0x0  }
0x24: {  	s3 =	sadd.s32 $0x88, s3;
	s6 =	simm.s32 @!p1 $0x1082;
	[sflag:s4] =	ssyncset.s32 $0xFFFFF086  }
0x25: {  	[simem:s6], [sflag:s4] =	dma.local [hbm:s3], $0xF7A  }
0x26: {  	[smem:$0x3F9D] =	sst s1;
	(tag) =	ssettag s2;
	_ =	strace s9  }
0x27: {  	s1 =	sld [smem:$0x3FAD]  }
0x28: {  	s2 =	sld [smem:$0x3FAE]  }
0x29: {  	s4 =	sld [smem:$0x3FB0]  }
0x2a: {  	p0 =	seq.s32 s5, $0x0;
	s5 =	sld [smem:$0x3FB1]  }
0x2b: {  	s6 =	sld [smem:$0x3FB2]  }
0x2c: {  	s7 =	sld [smem:$0x3FB3]  }
0x2d: {  	s3 =	simm.s32 $0x108;
	s8 =	sld [smem:$0x3FB4]  }
0x2e: {  	s3 =	simm.s32 @!p0 $0x1082;
	s9 =	sld [smem:$0x3FB5]  }
0x2f: {  	lr =	sadd.s32 s0, s3;
	s0 =	sld [smem:$0x3FAC]  }
0x30: {  	s3 =	sld [smem:$0x3FAF]  }
0x31: {  	[smem:$0x3FB8] =	sst s10  }
0x32: {  	s10 =	sld [smem:$0x3FB6];
	_ =	sdelay $0x3  }
0x33: {  	p0 =	seq.s32 s10, $0x1;
	s10 =	sld [smem:$0x3FB8];
	_ =	sdelay $0x3  }
0x34: {  	[smem:$0x3FB8] =	sst s10  }
0x35: {  	s10 =	sld [smem:$0x3FB7];
	_ =	sdelay $0x3  }
0x36: {  	p1 =	seq.s32 s10, $0x1;
	s10 =	sld [smem:$0x3FB8];
	_ =	sdelay $0x3  }
0x37: {  	[smem:$0x3FB8] =	sst s10  }
0x38: {  	s10 =	sld [smem:$0x3FB9]  }
0x39: {  	_ = 	snop;
	(pc) =	sbr.ind lr, $3  }
0x3a: {  	_ = 	snop  }
0x3b: {  	_ = 	snop  }
0x3c: {  	p2 =	seq.s32 s10, $0x1;
	s10 =	sld [smem:$0x3FB8]  }
0x3d: {  	_ =	shalt  }
0x3e: {  	_ =	shalt  }
0x3f: {  	_ =	shalt  }
0x40: {  	_ =	shalt  }
0x41: {  	_ =	shalt  }
0x42: {  	_ =	shalt  }
0x43: {  	_ =	shalt  }
0x44: {  	_ =	shalt  }
0x45: {  	_ =	shalt  }
0x46: {  	_ =	shalt  }
0x47: {  	_ =	shalt  }
0x48: {  	_ =	shalt  }
0x49: {  	_ =	shalt  }
0x4a: {  	_ =	shalt  }
0x4b: {  	_ =	shalt  }
0x4c: {  	_ =	shalt  }
0x4d: {  	_ =	shalt  }
0x4e: {  	_ =	shalt  }
0x4f: {  	_ =	shalt  }
0x50: {  	_ =	shalt  }
0x51: {  	_ =	shalt  }
0x52: {  	_ =	shalt  }
0x53: {  	_ =	shalt  }
0x54: {  	_ =	shalt  }
0x55: {  	_ =	shalt  }
0x56: {  	_ =	shalt  }
0x57: {  	_ =	shalt  }
0x58: {  	_ =	shalt  }
0x59: {  	_ =	shalt  }
0x5a: {  	_ =	shalt  }
0x5b: {  	_ =	shalt  }
0x5c: {  	_ =	shalt  }
0x5d: {  	_ =	shalt  }
0x5e: {  	_ =	shalt  }
0x5f: {  	_ =	shalt  }
0x60: {  	_ =	shalt  }
0x61: {  	_ =	shalt  }
0x62: {  	_ =	shalt  }
0x63: {  	_ =	shalt  }
0x64: {  	_ =	shalt  }
0x65: {  	_ =	shalt  }
0x66: {  	_ =	shalt  }
0x67: {  	_ =	shalt  }
0x68: {  	_ =	shalt  }
0x69: {  	_ =	shalt  }
0x6a: {  	_ =	shalt  }
0x6b: {  	_ =	shalt  }
0x6c: {  	_ =	shalt  }
0x6d: {  	_ =	shalt  }
0x6e: {  	_ =	shalt  }
0x6f: {  	_ =	shalt  }
0x70: {  	_ =	shalt  }
0x71: {  	_ =	shalt  }
0x72: {  	_ =	shalt  }
0x73: {  	_ =	shalt  }
0x74: {  	_ =	shalt  }
0x75: {  	_ =	shalt  }
0x76: {  	_ =	shalt  }
0x77: {  	_ =	shalt  }
0x78: {  	_ =	shalt  }
0x79: {  	_ =	shalt  }
0x7a: {  	_ =	shalt  }
0x7b: {  	_ =	shalt  }
0x7c: {  	_ =	shalt  }
0x7d: {  	_ =	shalt  }
0x7e: {  	_ =	shalt  }
0x7f: {  	_ =	shalt  }
0x80: {  	_ =	shalt  }
0x81: {  	_ =	shalt  }
0x82: {  	_ =	shalt  }
0x83: {  	_ =	shalt  }
0x84: {  	_ =	shalt  }
0x85: {  	_ =	shalt  }
0x86: {  	_ =	shalt  }
0x87: {  	_ =	shalt  }
.Lfunc_end0:
.L_simem_size_0:
called_computation_lowered:
.L_overlay_start_0:
0x88: {  	s2 =	sld [smem:$0x3FD9]  }
0x89: {  	s3 =	sld [smem:$0x3FFE];
	_ =	sdelay $0x1  }
0x8a: {  	s1 =	srdreg.scid  }
0x8b: {  	s0 =	sand.u32 $0x1, s1  }
0x8c: {  	s17 =	sshll.u32 s0, $0xA;
	s2 =	sadd.s32 s3, s2  }
0x8d: {  	s2 =	sadd.s32 s2, s17  }
0x8e: {  	[smem:$0x3FC4] =	sst s2  }
0x8f: {  	_ = 	snop  }
0x90: {  	s2 =	sld [smem:$0x3FC9]  }
0x91: {  	s18 =	sld [smem:$0x3FC7]  }
0x92: {  	s4 =	sld [smem:$0x3FD0];
	(tm) =	ssettm $0x1  }
0x93: {  	s5 =	sld [smem:$0x3FFB];
	_ =	sdelay $0x3  }
0x94: {  	_ =	strace s5  }
0x95: {  	s5 =	sld [smem:$0x3FFC];
	_ =	sdelay $0x3  }
0x96: {  	_ =	strace s5  }
0x97: {  	s5 =	sld [smem:$0x3FFD];
	_ =	sdelay $0x3  }
0x98: {  	_ =	strace s5  }
0x99: {  	_ =	strace $0x8FFFFFFF  }
0x9a: {  	s19 =	sld [smem:$0x3FDB];
	_ =	sdelay $0x1  }
0x9b: {  	s6 =	simm.s32 $_scs_section_size  }
0x9c: {  	s7 =	simm.s32 $_size__tile_overlayer_lowered;
	s8 =	simm.s32 $_tile_overlayer_lowered  }
0x9d: {  	s22 =	simm.s32 $0x1BFF;
	s21 =	sshll.u32 s8, $0x1;
	s5 =	sadd.s32 s6, s19  }
0x9e: {  	s9 =	simm.s32 $0x0;
	s20 =	sshll.u32 s7, $0x1;
	s7 =	sadd.s32 s21, s5  }
0x9f: {  	[timem:s9], [sflag:s22] =	dma.local [hbm:s7], s20  }
0xa0: {  	_ =	swait.ge [sflag:s22], s20  }
0xa1: {  	s6 =	ssub.s32 $0x0, s20;
	[sflag:s22] =	ssyncset.done $0x0  }
0xa2: {  	[sflag:s22] =	ssyncadd.s32 s6;
	_ =	sdelay $0x1  }
0xa3: {  	s23 =	simm.s32 $0x1B8B  }
0xa4: {  	_ =	swait.ge [sflag:s23], $0x1  }
0xa5: {  	[sflag:s23] =	ssyncset.done $0x0  }
0xa6: {  	s25 =	simm.s32 $0x1B8E;
	s24 =	sld [smem:$0x3FFE];
	[sflag:s23] =	ssyncadd.s32 $0xFFFFFFFF  }
0xa7: {  	s26 =	simm.s32 $execute0_lowered;
	[smem:$0x3FD2] =	sst s25  }
0xa8: {  	s7 =	sshll.u32 s26, $0x1;
	_ =	strace $0x80000046;
	[dreg:$0x1] =	wrdreg $0xFFFFFFFF  }
0xa9: {  	s28 =	simm.s32 $_size_execute0_lowered;
	s5 =	sadd.s32 s5, s7;
	[dreg:$0x0] =	wrdreg $0x0  }
0xaa: {  	s7 =	sshll.u32 s28, $0x1;
	[dreg:$0x2] =	wrdreg s5  }
0xab: {  	[dreg:$0x3] =	wrdreg s7  }
0xac: {  	[dreg:$0x4] =	wrdreg $0xC0  }
0xad: {  	_ =	task [dreg:s9], $0x5FFFF  }
0xae: {  	[dreg:$0x1] =	wrdreg $0xFFFFFFFF  }
0xaf: {  	[dreg:$0x0] =	wrdreg $0x60  }
0xb0: {  	[dreg:$0x2] =	wrdreg s24  }
0xb1: {  	[dreg:$0x3] =	wrdreg s2  }
0xb2: {  	[dreg:$0x4] =	wrdreg s18  }
0xb3: {  	[dreg:$0x5] =	wrdreg s4  }
0xb4: {  	[dreg:$0x6] =	wrdreg $0x9  }
0xb5: {  	_ =	task.clear_ibuf [dreg:s9], $0x7FFFF;
	_ =	strace $0x90000046  }
0xb6: {  	s29 =	simm.s32 $0x9;
	_ =	strace $0x80000048  }
0xb7: {  	_ =	swait.ge [sflag:s29], $0x1  }
0xb8: {  	[sflag:s29] =	ssyncadd.s32 $0xFFFFFFFF  }
0xb9: {  	_ =	strace $0x90000048  }
0xba: {  	_ =	sfence  }
0xbb: {  	s30 =	sld [smem:$0x0];
	_ =	sdelay $0x2  }
0xbc: {  	s31 =	sshll.u32 s1, $0xD;
	s1 =	sshrl.u32 s1, $0x2  }
0xbd: {  	s3 =	sand.u32 $0x4000, s31;
	s1 =	sadd.s32 s1, s30  }
0xbe: {  	s0 =	sor.u32 s3, s0;
	s1 =	sshll.u32 s1, $0x11  }
0xbf: {  	s0 =	sor.u32 s1, s0  }
0xc0: {  	s0 =	sadd.s32 $0x8F2B, s0  }
0xc1: {  	[sflag:s0] =	ssyncadd.remote.s32 $0x1  }
0xc2: {  	_ =	sfence.sel $0xFFFF  }
0xc3: {  	[dreg:$0x0] =	wrdreg $0xFFFFFFFF;
	(pc) =	sbr.abs _section_cstart, $3  }
0xc4: {  	[dreg:$0x1] =	wrdreg $0xFFFFFFFF  }
0xc5: {  	_ =	task.clear_ibuf [dreg:s9], $0x2FFFF;
	_ =	strace $0x9FFFFFFF  }
0xc6: {  	(tm) =	ssettm $0x7FFFFFFF  }
0xc7: {  	_ =	shalt  }
tec
execute0_lowered:
.L_overlay_start_1:
0x0: {  	(tag) =	ssettag $0x1  }
0x1: {  	s5 =	rddreg [dreg:$0x0]  }
0x2: {  	s1 =	rddreg [dreg:$0x1]  }
0x3: {  	s2 =	rddreg [dreg:$0x2]  }
0x4: {  	s3 =	rddreg [dreg:$0x3];
	s4 =	simm.s32 $0x0  }
0x5: {  	s6 =	srdreg.scid;
	s11 =	simm.s32 $0x180;
	s12 =	simm.s32 $0x40  }
0x6: {  	s13 =	simm.s32 $0x200;
	s14 =	simm.s32 $0x2200;
	s15 =	simm.s32 $0x80  }
0x7: {  	s16 =	simm.s32 $0x4200;
	s17 =	simm.s32 $0xC0;
	s18 =	simm.s32 $0x6200  }
0x8: {  	s19 =	simm.s32 $0x100;
	s20 =	simm.s32 $0x8200;
	s21 =	simm.s32 $0x20  }
0x9: {  	s22 =	simm.s32 $0xA200;
	s23 =	simm.s32 $0x1;
	s24 =	simm.s32 $0xB200  }
0xa: {  	s25 =	simm.s32 $0x0;
	[smem:$0x7FF] =	sst s4;
	s8 =	sand.u32 $0x1, s6  }
0xb: {  	s6 =	sadd.s32 $0x1000, s5;
	s7 =	sadd.s32 $0x6000, s5;
	s9 =	ssub.s32 $0x2, s8  }
0xc: {  	s5 =	stileid.u32;
	_ =	strace $0x80000047;
	s10 =	sshrl.u32 s9, $0x1  }
0xd: {  	s31 =	sshll.u32 s5, $0xA;
	s8 =	sshll.u32 s8, $0x9;
	s9 =	ssub.s32 s9, s10  }
0xe: {  	s8 =	sor.u32 s8, s31;
	s10 =	simm.s32 $0x2;
	s9 =	smax.u32 s9, $0x1  }
.LBB2_1:
0xf: {  	s26 =	simm.s32 $0x0  }
.LBB2_2:
0x10: {  	s28 =	sshll.u32 s26, $0x5  }
0x11: {  	s28 =	sadd.s32 s8, s28  }
0x12: {  	s29 =	smul.u32 $0xA, s28;
	_ =	sdelay $0x1  }
0x13: {  	s29 =	sshrl.u32 s29, $0x3  }
0x14: {  	s30 =	simm.s32 $0x0;
	s29 =	sadd.s32 s6, s29  }
0x15: {  	[tilespmem:s30], [sflag:$0x2] =	stream.linear.gather [hbm4b:s29+s30], $0x140, $0x38;
	[tilespmem:$0xC200] =	vst v63  }
0x16: {  	_ =	swait.ge [sflag:s10], $0x140  }
0x17: {  	s29 =	sshrl.u32 s28, $0x3;
	[sflag:s10] =	ssyncset.done $0x0  }
0x18: {  	s29 =	sadd.s32 s1, s29;
	[sflag:s10] =	ssyncadd.s32 $0xFFFFFEC0  }
0x19: {  	[tilespmem:s11], [sflag:$0x2] =	stream.linear.gather [hbm4b:s29+s30], $0x20, $0x38;
	[tilespmem:$0xC200] =	vst v63  }
0x1a: {  	_ =	swait.ge [sflag:s10], $0x20  }
0x1b: {  	[sflag:s10] =	ssyncset.done $0x0  }
0x1c: {  	[sflag:s10] =	ssyncadd.s32 $0xFFFFFFE0  }
0x1d: {  	[tilespmem:s13], [sflag:$0x1] =	stream.indirect.gather [hbm4b:s2+s12], $0x80, s30, s12, $0xb8;
	[tilespmem:$0xC200] =	vst v63  }
0x1e: {  	_ = 	snop  }
0x1f: {  	[tilespmem:s14], [sflag:$0x1] =	stream.indirect.gather [hbm4b:s2+s12], $0x80, s12, s12, $0xb8;
	[tilespmem:$0xC200] =	vst v63  }
0x20: {  	_ = 	snop  }
0x21: {  	[tilespmem:s16], [sflag:$0x1] =	stream.indirect.gather [hbm4b:s2+s12], $0x80, s15, s12, $0xb8;
	[tilespmem:$0xC200] =	vst v63  }
0x22: {  	_ = 	snop  }
0x23: {  	[tilespmem:s18], [sflag:$0x1] =	stream.indirect.gather [hbm4b:s2+s12], $0x80, s17, s12, $0xb8;
	[tilespmem:$0xC200] =	vst v63  }
0x24: {  	_ = 	snop  }
0x25: {  	[tilespmem:s20], [sflag:$0x1] =	stream.indirect.gather [hbm4b:s2+s12], $0x80, s19, s12, $0xb8;
	[tilespmem:$0xC200] =	vst v63  }
0x26: {  	_ = 	snop  }
0x27: {  	[tilespmem:s22], [sflag:$0x1] =	stream.indirect.gather [hbm4b:s2+s21], $0x80, s11, s21, $0xb8;
	[tilespmem:$0xC200] =	vst v63  }
0x28: {  	_ =	swait.ge [sflag:s23], $0x2000  }
0x29: {  	[sflag:s23] =	ssyncset.done $0x0  }
0x2a: {  	[sflag:s23] =	ssyncadd.s32 $0xFFFFE000  }
0x2b: {  	_ =	swait.ge [sflag:s23], $0x2000  }
0x2c: {  	[sflag:s23] =	ssyncset.done $0x0  }
0x2d: {  	[sflag:s23] =	ssyncadd.s32 $0xFFFFE000  }
0x2e: {  	_ =	swait.ge [sflag:s23], $0x2000  }
0x2f: {  	[sflag:s23] =	ssyncset.done $0x0  }
0x30: {  	[sflag:s23] =	ssyncadd.s32 $0xFFFFE000  }
0x31: {  	_ =	swait.ge [sflag:s23], $0x2000  }
0x32: {  	[sflag:s23] =	ssyncset.done $0x0  }
0x33: {  	[sflag:s23] =	ssyncadd.s32 $0xFFFFE000  }
0x34: {  	_ =	swait.ge [sflag:s23], $0x2000  }
0x35: {  	[sflag:s23] =	ssyncset.done $0x0  }
0x36: {  	[sflag:s23] =	ssyncadd.s32 $0xFFFFE000  }
0x37: {  	_ =	swait.ge [sflag:s23], $0x1000  }
0x38: {  	[sflag:s23] =	ssyncset.done $0x0  }
0x39: {  	s29 =	simm.s32 $0x480;
	[sflag:s23] =	ssyncadd.s32 $0xFFFFF000  }
0x3a: {  	v0 =	vld [tilespmem:s29+$0xFFFFFE00]  }
0x3b: {  	v1 =	vld [tilespmem:s29+$0xFFFFFD80];
	_ =	sdelay $0x1  }
0x3c: {  	v2 =	vld [tilespmem:s29+$0xFFFFFE80];
	_ =	sdelay $0x1  }
0x3d: {  	v3 =	vld [tilespmem:s29+$0xFFFFFF00]  }
0x3e: {  	v0 =	vadd.f32 v0, v1  }
0x3f: {  	v1 =	vld [tilespmem:s29+$0xFFFFFF80]  }
0x40: {  	v0 =	vadd.f32 v2, v0  }
0x41: {  	v2 =	vld [tilespmem:s29+$0x0]  }
0x42: {  	v0 =	vadd.f32 v3, v0  }
0x43: {  	v3 =	vld [tilespmem:s29+$0x80]  }
0x44: {  	v0 =	vadd.f32 v1, v0  }
0x45: {  	v1 =	vld [tilespmem:s29+$0x100]  }
0x46: {  	v0 =	vadd.f32 v2, v0  }
0x47: {  	v2 =	vld [tilespmem:s29+$0x180]  }
0x48: {  	v0 =	vadd.f32 v3, v0  }
0x49: {  	v3 =	vld [tilespmem:s29+$0x200]  }
0x4a: {  	v0 =	vadd.f32 v1, v0;
	_ =	sdelay $0x1  }
0x4b: {  	v0 =	vadd.f32 v2, v0;
	_ =	sdelay $0x1  }
0x4c: {  	v0 =	vadd.f32 v3, v0  }
0x4d: {  	s30 =	simm.s32 $0x0  }
0x4e: {  	[tilespmem:s30+$0xB200] =	vst v0  }
0x4f: {  	v0 =	vld [tilespmem:s29+$0xFFFFFD90]  }
0x50: {  	v1 =	vld [tilespmem:s29+$0xFFFFFE10];
	_ =	sdelay $0x1  }
0x51: {  	v2 =	vld [tilespmem:s29+$0xFFFFFE90];
	_ =	sdelay $0x1  }
0x52: {  	v3 =	vld [tilespmem:s29+$0xFFFFFF10]  }
0x53: {  	v0 =	vadd.f32 v1, v0  }
0x54: {  	v1 =	vld [tilespmem:s29+$0xFFFFFF90]  }
0x55: {  	v0 =	vadd.f32 v2, v0  }
0x56: {  	v2 =	vld [tilespmem:s29+$0x10]  }
0x57: {  	v0 =	vadd.f32 v3, v0  }
0x58: {  	v3 =	vld [tilespmem:s29+$0x90]  }
0x59: {  	v0 =	vadd.f32 v1, v0  }
0x5a: {  	v1 =	vld [tilespmem:s29+$0x110]  }
0x5b: {  	v0 =	vadd.f32 v2, v0  }
0x5c: {  	v2 =	vld [tilespmem:s29+$0x190]  }
0x5d: {  	v0 =	vadd.f32 v3, v0  }
0x5e: {  	v3 =	vld [tilespmem:s29+$0x210]  }
0x5f: {  	v0 =	vadd.f32 v1, v0;
	_ =	sdelay $0x1  }
0x60: {  	v0 =	vadd.f32 v2, v0;
	_ =	sdelay $0x1  }
0x61: {  	v0 =	vadd.f32 v3, v0;
	_ =	sdelay $0x1  }
0x62: {  	[tilespmem:s30+$0xB210] =	vst v0  }
0x63: {  	v0 =	vld [tilespmem:s29+$0xFFFFFDA0]  }
0x64: {  	v1 =	vld [tilespmem:s29+$0xFFFFFE20];
	_ =	sdelay $0x1  }
0x65: {  	v2 =	vld [tilespmem:s29+$0xFFFFFEA0];
	_ =	sdelay $0x1  }
0x66: {  	v3 =	vld [tilespmem:s29+$0xFFFFFF20]  }
0x67: {  	v0 =	vadd.f32 v1, v0  }
0x68: {  	v1 =	vld [tilespmem:s29+$0xFFFFFFA0]  }
0x69: {  	v0 =	vadd.f32 v2, v0  }
0x6a: {  	v2 =	vld [tilespmem:s29+$0x20]  }
0x6b: {  	v0 =	vadd.f32 v3, v0  }
0x6c: {  	v3 =	vld [tilespmem:s29+$0xA0]  }
0x6d: {  	v0 =	vadd.f32 v1, v0  }
0x6e: {  	v1 =	vld [tilespmem:s29+$0x120]  }
0x6f: {  	v0 =	vadd.f32 v2, v0  }
0x70: {  	v2 =	vld [tilespmem:s29+$0x1A0]  }
0x71: {  	v0 =	vadd.f32 v3, v0  }
0x72: {  	v3 =	vld [tilespmem:s29+$0x220]  }
0x73: {  	v0 =	vadd.f32 v1, v0;
	_ =	sdelay $0x1  }
0x74: {  	v0 =	vadd.f32 v2, v0;
	_ =	sdelay $0x1  }
0x75: {  	v0 =	vadd.f32 v3, v0;
	_ =	sdelay $0x1  }
0x76: {  	[tilespmem:s30+$0xB220] =	vst v0  }
0x77: {  	v0 =	vld [tilespmem:s29+$0xFFFFFDB0]  }
0x78: {  	v1 =	vld [tilespmem:s29+$0xFFFFFE30];
	_ =	sdelay $0x1  }
0x79: {  	v2 =	vld [tilespmem:s29+$0xFFFFFEB0];
	_ =	sdelay $0x1  }
0x7a: {  	v3 =	vld [tilespmem:s29+$0xFFFFFF30]  }
0x7b: {  	v0 =	vadd.f32 v1, v0  }
0x7c: {  	v1 =	vld [tilespmem:s29+$0xFFFFFFB0]  }
0x7d: {  	v0 =	vadd.f32 v2, v0  }
0x7e: {  	v2 =	vld [tilespmem:s29+$0x30]  }
0x7f: {  	v0 =	vadd.f32 v3, v0  }
0x80: {  	v3 =	vld [tilespmem:s29+$0xB0]  }
0x81: {  	v0 =	vadd.f32 v1, v0  }
0x82: {  	v1 =	vld [tilespmem:s29+$0x130]  }
0x83: {  	v0 =	vadd.f32 v2, v0  }
0x84: {  	v2 =	vld [tilespmem:s29+$0x1B0]  }
0x85: {  	v0 =	vadd.f32 v3, v0  }
0x86: {  	v3 =	vld [tilespmem:s29+$0x230]  }
0x87: {  	v0 =	vadd.f32 v1, v0;
	_ =	sdelay $0x1  }
0x88: {  	v0 =	vadd.f32 v2, v0;
	_ =	sdelay $0x1  }
0x89: {  	v0 =	vadd.f32 v3, v0;
	_ =	sdelay $0x1  }
0x8a: {  	[tilespmem:s30+$0xB230] =	vst v0  }
0x8b: {  	v0 =	vld [tilespmem:s29+$0xFFFFFDC0]  }
0x8c: {  	v1 =	vld [tilespmem:s29+$0xFFFFFE40];
	_ =	sdelay $0x1  }
0x8d: {  	v2 =	vld [tilespmem:s29+$0xFFFFFEC0];
	_ =	sdelay $0x1  }
0x8e: {  	v3 =	vld [tilespmem:s29+$0xFFFFFF40]  }
0x8f: {  	v0 =	vadd.f32 v1, v0  }
0x90: {  	v1 =	vld [tilespmem:s29+$0xFFFFFFC0]  }
0x91: {  	v0 =	vadd.f32 v2, v0  }
0x92: {  	v2 =	vld [tilespmem:s29+$0x40]  }
0x93: {  	v0 =	vadd.f32 v3, v0  }
0x94: {  	v3 =	vld [tilespmem:s29+$0xC0]  }
0x95: {  	v0 =	vadd.f32 v1, v0  }
0x96: {  	v1 =	vld [tilespmem:s29+$0x140]  }
0x97: {  	v0 =	vadd.f32 v2, v0  }
0x98: {  	v2 =	vld [tilespmem:s29+$0x1C0]  }
0x99: {  	v0 =	vadd.f32 v3, v0  }
0x9a: {  	v3 =	vld [tilespmem:s29+$0x240]  }
0x9b: {  	v0 =	vadd.f32 v1, v0;
	_ =	sdelay $0x1  }
0x9c: {  	v0 =	vadd.f32 v2, v0;
	_ =	sdelay $0x1  }
0x9d: {  	v0 =	vadd.f32 v3, v0;
	_ =	sdelay $0x1  }
0x9e: {  	[tilespmem:s30+$0xB240] =	vst v0  }
0x9f: {  	v0 =	vld [tilespmem:s29+$0xFFFFFDD0]  }
0xa0: {  	v1 =	vld [tilespmem:s29+$0xFFFFFE50];
	_ =	sdelay $0x1  }
0xa1: {  	v2 =	vld [tilespmem:s29+$0xFFFFFED0];
	_ =	sdelay $0x1  }
0xa2: {  	v3 =	vld [tilespmem:s29+$0xFFFFFF50]  }
0xa3: {  	v0 =	vadd.f32 v1, v0  }
0xa4: {  	v1 =	vld [tilespmem:s29+$0xFFFFFFD0]  }
0xa5: {  	v0 =	vadd.f32 v2, v0  }
0xa6: {  	v2 =	vld [tilespmem:s29+$0x50]  }
0xa7: {  	v0 =	vadd.f32 v3, v0  }
0xa8: {  	v3 =	vld [tilespmem:s29+$0xD0]  }
0xa9: {  	v0 =	vadd.f32 v1, v0  }
0xaa: {  	v1 =	vld [tilespmem:s29+$0x150]  }
0xab: {  	v0 =	vadd.f32 v2, v0  }
0xac: {  	v2 =	vld [tilespmem:s29+$0x1D0]  }
0xad: {  	v0 =	vadd.f32 v3, v0  }
0xae: {  	v3 =	vld [tilespmem:s29+$0x250]  }
0xaf: {  	v0 =	vadd.f32 v1, v0;
	_ =	sdelay $0x1  }
0xb0: {  	v0 =	vadd.f32 v2, v0;
	_ =	sdelay $0x1  }
0xb1: {  	v0 =	vadd.f32 v3, v0;
	_ =	sdelay $0x1  }
0xb2: {  	[tilespmem:s30+$0xB250] =	vst v0  }
0xb3: {  	v0 =	vld [tilespmem:s29+$0xFFFFFDE0]  }
0xb4: {  	v1 =	vld [tilespmem:s29+$0xFFFFFE60];
	_ =	sdelay $0x1  }
0xb5: {  	v2 =	vld [tilespmem:s29+$0xFFFFFEE0];
	_ =	sdelay $0x1  }
0xb6: {  	v3 =	vld [tilespmem:s29+$0xFFFFFF60]  }
0xb7: {  	v0 =	vadd.f32 v1, v0  }
0xb8: {  	v1 =	vld [tilespmem:s29+$0xFFFFFFE0]  }
0xb9: {  	v0 =	vadd.f32 v2, v0  }
0xba: {  	v2 =	vld [tilespmem:s29+$0x60]  }
0xbb: {  	v0 =	vadd.f32 v3, v0  }
0xbc: {  	v3 =	vld [tilespmem:s29+$0xE0]  }
0xbd: {  	v0 =	vadd.f32 v1, v0  }
0xbe: {  	v1 =	vld [tilespmem:s29+$0x160]  }
0xbf: {  	v0 =	vadd.f32 v2, v0  }
0xc0: {  	v2 =	vld [tilespmem:s29+$0x1E0]  }
0xc1: {  	v0 =	vadd.f32 v3, v0  }
0xc2: {  	v3 =	vld [tilespmem:s29+$0x260]  }
0xc3: {  	v0 =	vadd.f32 v1, v0;
	_ =	sdelay $0x1  }
0xc4: {  	v0 =	vadd.f32 v2, v0;
	_ =	sdelay $0x1  }
0xc5: {  	v0 =	vadd.f32 v3, v0;
	_ =	sdelay $0x1  }
0xc6: {  	[tilespmem:s30+$0xB260] =	vst v0  }
0xc7: {  	v0 =	vld [tilespmem:s29+$0xFFFFFDF0]  }
0xc8: {  	v1 =	vld [tilespmem:s29+$0xFFFFFE70];
	_ =	sdelay $0x1  }
0xc9: {  	v2 =	vld [tilespmem:s29+$0xFFFFFEF0];
	_ =	sdelay $0x1  }
0xca: {  	v3 =	vld [tilespmem:s29+$0xFFFFFF70]  }
0xcb: {  	v0 =	vadd.f32 v1, v0  }
0xcc: {  	v1 =	vld [tilespmem:s29+$0xFFFFFFF0]  }
0xcd: {  	v0 =	vadd.f32 v2, v0  }
0xce: {  	v4 =	vld [tilespmem:s29+$0x70]  }
0xcf: {  	v2 =	vadd.f32 v3, v0  }
0xd0: {  	v3 =	vld [tilespmem:s29+$0xF0]  }
0xd1: {  	v0 =	vld [tilespmem:s29+$0x170];
	v5 =	vadd.f32 v1, v2  }
0xd2: {  	v1 =	vld [tilespmem:s29+$0x1F0]  }
0xd3: {  	s31 =	simm.s32 $0x200;
	v2 =	vld [tilespmem:s29+$0x270];
	v4 =	vadd.f32 v4, v5  }
.LBB2_3:
0xd4: {  	p0 =	sne.s32 s31, $0x3E00  }
0xd5: {  	s29 =	sadd.s32 $0x500, s29;
	s0 =	smov.u32 s31;
	s31 =	sadd.s32 $0x200, s31;
	v3 =	vadd.f32 v3, v4  }
0xd6: {  	_ = 	snop  }
0xd7: {  	v0 =	vadd.f32 v0, v3;
	_ =	sdelay $0x1  }
0xd8: {  	v0 =	vadd.f32 v1, v0;
	_ =	sdelay $0x1  }
0xd9: {  	v0 =	vadd.f32 v2, v0;
	_ =	sdelay $0x1  }
0xda: {  	[tilespmem:s30+$0xB270] =	vst v0  }
0xdb: {  	v0 =	vld [tilespmem:s29+$0xFFFFFE00]  }
0xdc: {  	v1 =	vld [tilespmem:s29+$0xFFFFFD80]  }
0xdd: {  	v2 =	vld [tilespmem:s29+$0xFFFFFE80];
	_ =	sdelay $0x2  }
0xde: {  	v3 =	vld [tilespmem:s29+$0xFFFFFF00]  }
0xdf: {  	v0 =	vadd.f32 v0, v1  }
0xe0: {  	v1 =	vld [tilespmem:s29+$0xFFFFFF80]  }
0xe1: {  	v0 =	vadd.f32 v2, v0  }
0xe2: {  	v2 =	vld [tilespmem:s29+$0x0]  }
0xe3: {  	v0 =	vadd.f32 v3, v0  }
0xe4: {  	v3 =	vld [tilespmem:s29+$0x80]  }
0xe5: {  	v0 =	vadd.f32 v1, v0  }
0xe6: {  	v1 =	vld [tilespmem:s29+$0x100]  }
0xe7: {  	v0 =	vadd.f32 v2, v0  }
0xe8: {  	v2 =	vld [tilespmem:s29+$0x180]  }
0xe9: {  	v0 =	vadd.f32 v3, v0  }
0xea: {  	v3 =	vld [tilespmem:s29+$0x200]  }
0xeb: {  	v0 =	vadd.f32 v1, v0;
	_ =	sdelay $0x1  }
0xec: {  	v0 =	vadd.f32 v2, v0;
	_ =	sdelay $0x1  }
0xed: {  	v0 =	vadd.f32 v3, v0  }
0xee: {  	s30 =	sshra.s32 s0, $0x2  }
0xef: {  	[tilespmem:s30+$0xB200] =	vst v0  }
0xf0: {  	v0 =	vld [tilespmem:s29+$0xFFFFFD90]  }
0xf1: {  	v1 =	vld [tilespmem:s29+$0xFFFFFE10];
	_ =	sdelay $0x1  }
0xf2: {  	v2 =	vld [tilespmem:s29+$0xFFFFFE90];
	_ =	sdelay $0x1  }
0xf3: {  	v3 =	vld [tilespmem:s29+$0xFFFFFF10]  }
0xf4: {  	v0 =	vadd.f32 v1, v0  }
0xf5: {  	v1 =	vld [tilespmem:s29+$0xFFFFFF90]  }
0xf6: {  	v0 =	vadd.f32 v2, v0  }
0xf7: {  	v2 =	vld [tilespmem:s29+$0x10]  }
0xf8: {  	v0 =	vadd.f32 v3, v0  }
0xf9: {  	v3 =	vld [tilespmem:s29+$0x90]  }
0xfa: {  	v0 =	vadd.f32 v1, v0  }
0xfb: {  	v1 =	vld [tilespmem:s29+$0x110]  }
0xfc: {  	v0 =	vadd.f32 v2, v0  }
0xfd: {  	v2 =	vld [tilespmem:s29+$0x190]  }
0xfe: {  	v0 =	vadd.f32 v3, v0  }
0xff: {  	v3 =	vld [tilespmem:s29+$0x210]  }
0x100: {  	v0 =	vadd.f32 v1, v0;
	_ =	sdelay $0x1  }
0x101: {  	v0 =	vadd.f32 v2, v0;
	_ =	sdelay $0x1  }
0x102: {  	v0 =	vadd.f32 v3, v0;
	_ =	sdelay $0x1  }
0x103: {  	[tilespmem:s30+$0xB210] =	vst v0  }
0x104: {  	v0 =	vld [tilespmem:s29+$0xFFFFFDA0]  }
0x105: {  	v1 =	vld [tilespmem:s29+$0xFFFFFE20];
	_ =	sdelay $0x1  }
0x106: {  	v2 =	vld [tilespmem:s29+$0xFFFFFEA0];
	_ =	sdelay $0x1  }
0x107: {  	v3 =	vld [tilespmem:s29+$0xFFFFFF20]  }
0x108: {  	v0 =	vadd.f32 v1, v0  }
0x109: {  	v1 =	vld [tilespmem:s29+$0xFFFFFFA0]  }
0x10a: {  	v0 =	vadd.f32 v2, v0  }
0x10b: {  	v2 =	vld [tilespmem:s29+$0x20]  }
0x10c: {  	v0 =	vadd.f32 v3, v0  }
0x10d: {  	v3 =	vld [tilespmem:s29+$0xA0]  }
0x10e: {  	v0 =	vadd.f32 v1, v0  }
0x10f: {  	v1 =	vld [tilespmem:s29+$0x120]  }
0x110: {  	v0 =	vadd.f32 v2, v0  }
0x111: {  	v2 =	vld [tilespmem:s29+$0x1A0]  }
0x112: {  	v0 =	vadd.f32 v3, v0  }
0x113: {  	v3 =	vld [tilespmem:s29+$0x220]  }
0x114: {  	v0 =	vadd.f32 v1, v0;
	_ =	sdelay $0x1  }
0x115: {  	v0 =	vadd.f32 v2, v0;
	_ =	sdelay $0x1  }
0x116: {  	v0 =	vadd.f32 v3, v0;
	_ =	sdelay $0x1  }
0x117: {  	[tilespmem:s30+$0xB220] =	vst v0  }
0x118: {  	v0 =	vld [tilespmem:s29+$0xFFFFFDB0]  }
0x119: {  	v1 =	vld [tilespmem:s29+$0xFFFFFE30];
	_ =	sdelay $0x1  }
0x11a: {  	v2 =	vld [tilespmem:s29+$0xFFFFFEB0];
	_ =	sdelay $0x1  }
0x11b: {  	v3 =	vld [tilespmem:s29+$0xFFFFFF30]  }
0x11c: {  	v0 =	vadd.f32 v1, v0  }
0x11d: {  	v1 =	vld [tilespmem:s29+$0xFFFFFFB0]  }
0x11e: {  	v0 =	vadd.f32 v2, v0  }
0x11f: {  	v2 =	vld [tilespmem:s29+$0x30]  }
0x120: {  	v0 =	vadd.f32 v3, v0  }
0x121: {  	v3 =	vld [tilespmem:s29+$0xB0]  }
0x122: {  	v0 =	vadd.f32 v1, v0  }
0x123: {  	v1 =	vld [tilespmem:s29+$0x130]  }
0x124: {  	v0 =	vadd.f32 v2, v0  }
0x125: {  	v2 =	vld [tilespmem:s29+$0x1B0]  }
0x126: {  	v0 =	vadd.f32 v3, v0  }
0x127: {  	v3 =	vld [tilespmem:s29+$0x230]  }
0x128: {  	v0 =	vadd.f32 v1, v0;
	_ =	sdelay $0x1  }
0x129: {  	v0 =	vadd.f32 v2, v0;
	_ =	sdelay $0x1  }
0x12a: {  	v0 =	vadd.f32 v3, v0;
	_ =	sdelay $0x1  }
0x12b: {  	[tilespmem:s30+$0xB230] =	vst v0  }
0x12c: {  	v0 =	vld [tilespmem:s29+$0xFFFFFDC0]  }
0x12d: {  	v1 =	vld [tilespmem:s29+$0xFFFFFE40];
	_ =	sdelay $0x1  }
0x12e: {  	v2 =	vld [tilespmem:s29+$0xFFFFFEC0];
	_ =	sdelay $0x1  }
0x12f: {  	v3 =	vld [tilespmem:s29+$0xFFFFFF40]  }
0x130: {  	v0 =	vadd.f32 v1, v0  }
0x131: {  	v1 =	vld [tilespmem:s29+$0xFFFFFFC0]  }
0x132: {  	v0 =	vadd.f32 v2, v0  }
0x133: {  	v2 =	vld [tilespmem:s29+$0x40]  }
0x134: {  	v0 =	vadd.f32 v3, v0  }
0x135: {  	v3 =	vld [tilespmem:s29+$0xC0]  }
0x136: {  	v0 =	vadd.f32 v1, v0  }
0x137: {  	v1 =	vld [tilespmem:s29+$0x140]  }
0x138: {  	v0 =	vadd.f32 v2, v0  }
0x139: {  	v2 =	vld [tilespmem:s29+$0x1C0]  }
0x13a: {  	v0 =	vadd.f32 v3, v0  }
0x13b: {  	v3 =	vld [tilespmem:s29+$0x240]  }
0x13c: {  	v0 =	vadd.f32 v1, v0;
	_ =	sdelay $0x1  }
0x13d: {  	v0 =	vadd.f32 v2, v0;
	_ =	sdelay $0x1  }
0x13e: {  	v0 =	vadd.f32 v3, v0;
	_ =	sdelay $0x1  }
0x13f: {  	[tilespmem:s30+$0xB240] =	vst v0  }
0x140: {  	v0 =	vld [tilespmem:s29+$0xFFFFFDD0]  }
0x141: {  	v1 =	vld [tilespmem:s29+$0xFFFFFE50]  }
0x142: {  	v2 =	vld [tilespmem:s29+$0xFFFFFED0]  }
0x143: {  	v3 =	vld [tilespmem:s29+$0xFFFFFF50]  }
0x144: {  	v4 =	vld [tilespmem:s29+$0xFFFFFFD0]  }
0x145: {  	v5 =	vld [tilespmem:s29+$0x50]  }
0x146: {  	v0 =	vadd.f32 v1, v0;
	v1 =	vld [tilespmem:s29+$0xD0]  }
0x147: {  	v6 =	vld [tilespmem:s29+$0x150]  }
0x148: {  	v0 =	vadd.f32 v2, v0;
	v2 =	vld [tilespmem:s29+$0x1D0]  }
0x149: {  	v7 =	vld [tilespmem:s29+$0x250]  }
0x14a: {  	v0 =	vadd.f32 v3, v0;
	_ =	sdelay $0x1  }
0x14b: {  	v0 =	vadd.f32 v4, v0;
	_ =	sdelay $0x1  }
0x14c: {  	v0 =	vadd.f32 v5, v0;
	_ =	sdelay $0x1  }
0x14d: {  	v0 =	vadd.f32 v1, v0;
	_ =	sdelay $0x1  }
0x14e: {  	v0 =	vadd.f32 v6, v0;
	_ =	sdelay $0x1  }
0x14f: {  	v0 =	vadd.f32 v2, v0;
	_ =	sdelay $0x1  }
0x150: {  	v0 =	vadd.f32 v7, v0;
	_ =	sdelay $0x1  }
0x151: {  	[tilespmem:s30+$0xB250] =	vst v0  }
0x152: {  	v0 =	vld [tilespmem:s29+$0xFFFFFDE0]  }
0x153: {  	v1 =	vld [tilespmem:s29+$0xFFFFFE60]  }
0x154: {  	v2 =	vld [tilespmem:s29+$0xFFFFFEE0]  }
0x155: {  	v3 =	vld [tilespmem:s29+$0xFFFFFF60]  }
0x156: {  	v4 =	vld [tilespmem:s29+$0xFFFFFFE0]  }
0x157: {  	v5 =	vld [tilespmem:s29+$0x60]  }
0x158: {  	v0 =	vadd.f32 v1, v0;
	v1 =	vld [tilespmem:s29+$0xE0]  }
0x159: {  	v6 =	vld [tilespmem:s29+$0x160]  }
0x15a: {  	v0 =	vadd.f32 v2, v0;
	v2 =	vld [tilespmem:s29+$0x1E0]  }
0x15b: {  	v7 =	vld [tilespmem:s29+$0x260]  }
0x15c: {  	v0 =	vadd.f32 v3, v0;
	_ =	sdelay $0x1  }
0x15d: {  	v0 =	vadd.f32 v4, v0;
	_ =	sdelay $0x1  }
0x15e: {  	v0 =	vadd.f32 v5, v0;
	_ =	sdelay $0x1  }
0x15f: {  	v0 =	vadd.f32 v1, v0;
	_ =	sdelay $0x1  }
0x160: {  	v0 =	vadd.f32 v6, v0;
	_ =	sdelay $0x1  }
0x161: {  	v0 =	vadd.f32 v2, v0;
	_ =	sdelay $0x1  }
0x162: {  	v0 =	vadd.f32 v7, v0;
	_ =	sdelay $0x1  }
0x163: {  	[tilespmem:s30+$0xB260] =	vst v0  }
0x164: {  	v0 =	vld [tilespmem:s29+$0xFFFFFDF0]  }
0x165: {  	v1 =	vld [tilespmem:s29+$0xFFFFFE70]  }
0x166: {  	v2 =	vld [tilespmem:s29+$0xFFFFFEF0]  }
0x167: {  	v4 =	vld [tilespmem:s29+$0xFFFFFF70]  }
0x168: {  	v5 =	vld [tilespmem:s29+$0xFFFFFFF0]  }
0x169: {  	v6 =	vld [tilespmem:s29+$0x70]  }
0x16a: {  	v1 =	vadd.f32 v1, v0;
	v3 =	vld [tilespmem:s29+$0xF0]  }
0x16b: {  	v0 =	vld [tilespmem:s29+$0x170]  }
0x16c: {  	v7 =	vadd.f32 v2, v1;
	v1 =	vld [tilespmem:s29+$0x1F0]  }
0x16d: {  	v2 =	vld [tilespmem:s29+$0x270]  }
.Ltmp0:
0x16e: {  	v4 =	vadd.f32 v4, v7;
	(pc) =	sbr.rel @p0 .LBB2_3-.Ltmp0, $3  }
0x16f: {  	_ = 	snop  }
0x170: {  	v4 =	vadd.f32 v5, v4;
	_ =	sdelay $0x1  }
0x171: {  	v4 =	vadd.f32 v6, v4  }
0x172: {  	_ = 	snop  }
0x173: {  	v3 =	vadd.f32 v3, v4;
	_ =	sdelay $0x1  }
0x174: {  	v0 =	vadd.f32 v0, v3;
	_ =	sdelay $0x1  }
0x175: {  	v0 =	vadd.f32 v1, v0;
	_ =	sdelay $0x1  }
0x176: {  	v0 =	vadd.f32 v2, v0  }
0x177: {  	s0 =	sshll.u32 s28, $0x4  }
0x178: {  	s28 =	sadd.s32 s7, s0;
	[tilespmem:s30+$0xB270] =	vst v0  }
0x179: {  	[hbm4b:s28+s4] =	stream.linear.scatter [tilespmem:s24], [sflag:$0x2], $0x1000, $0x38;
	[tilespmem:$0xC200] =	vst v63  }
0x17a: {  	s26 =	sadd.s32 $0x1, s26;
	_ =	swait.ge [sflag:s10], $0x1000  }
0x17b: {  	p0 =	sne.s32 s26, $0x10;
	[sflag:s10] =	ssyncset.done $0x0  }
.Ltmp1:
0x17c: {  	s0 =	sadd.s32 s3, s0;
	[sflag:s10] =	ssyncadd.s32 $0xFFFFF000;
	(pc) =	sbr.rel @p0 .LBB2_2-.Ltmp1, $4  }
0x17d: {  	[hbm4b:s0+s4] =	stream.linear.scatter [tilespmem:s22], [sflag:$0x2], $0x1000, $0x38;
	[tilespmem:$0xC200] =	vst v63  }
0x17e: {  	_ =	swait.ge [sflag:s10], $0x1000  }
0x17f: {  	[sflag:s10] =	ssyncset.done $0x0  }
0x180: {  	[sflag:s10] =	ssyncadd.s32 $0xFFFFF000  }
0x181: {  	s25 =	sadd.s32 $0x1, s25  }
0x182: {  	p0 =	sne.s32 s25, s9  }
.Ltmp2:
0x183: {  	_ = 	snop;
	(pc) =	sbr.rel @p0 .LBB2_1-.Ltmp2, $1  }
0x184: {  	_ =	sdelay $0x3  }
0x185: {  	_ =	sfence.sel $0x180000  }
0x186: {  	[bflag:$0x0] =	sbarrier.arrive $0xFFFF  }
0x187: {  	_ =	strace $0x90000047  }
0x188: {  	[bflag:$0x2] =	sbarrier.arrive $0xFFFF  }
0x189: {  	p0 =	sne.s32 s5, $0x0;
	s0 =	rddreg [dreg:$0x4]  }
0x18a: {  	s0 =	sadd.s32 @!p0 $0x100000, s0  }
0x18b: {  	[sflag:s0] =	ssyncadd.tile.s32 @!p0 $0x1;
	_ =	shalt  }
.Lfunc_end2:
_tile_overlayer_lowered:
.L_overlay_start_2:
0x18c: {  	(tag) =	ssettag $0x2  }
0x18d: {  	s0 =	rddreg [dreg:$0x0];
	s2 =	stileid.u32  }
0x18e: {  	s1 =	rddreg [dreg:$0x1];
	p0 =	sne.s32 s2, $0x0  }
0x18f: {  	s3 =	rddreg [dreg:$0x2];
	[bflag:$0x3] =	sbarrier.arrive $0xFFFF;
	s2 =	simm.s32 @!p0 $0x1C02  }
0x190: {  	[timem:s3], [sflag:s2] =	dma.local @!p0 [hbm:s0], s1  }
0x191: {  	s0 =	simm.s32 @!p0 $0x2  }
0x192: {  	_ =	swait.ge @!p0 [sflag:s0], s1  }
0x193: {  	s1 =	ssub.s32 @!p0 $0x0, s1;
	[sflag:s0] =	ssyncset.done @!p0 $0x0  }
0x194: {  	[sflag:s0] =	ssyncadd.s32 @!p0 s1  }
0x195: {  	[bflag:$0x3] =	sbarrier.arrive $0xFFFF  }
0x196: {  	_ =	shalt  }

</sc_bundles>
